<compile_context>
chip_gen: v7x
topology: tpu7x:2x2x1
jax: 0.10.2.dev20260603
libtpu: 0.0.44.dev20260713+nightly
codegen_flags: <defaults>
</compile_context>

<pallas_src>
import functools

import jax
import jax.numpy as jnp
from jax import lax
from jax.experimental import pallas as pl
from jax.experimental.pallas import tpu as pltpu
from jax.experimental.pallas import tpu_sc as plsc

VOCAB = 1000000
HALF = VOCAB // 2
EMB = 64
B = 16384
L = 50

NUM_ROWS = B * L
NW = 32
PADL = 56

_MESH = dict(mesh=plsc.VectorSubcoreMesh(core_axis_name="c", subcore_axis_name="s"))


def _wid():
    return lax.axis_index("s") * 2 + lax.axis_index("c")


IDX_MINOR = 100
IDX_ROWS = NUM_ROWS // IDX_MINOR
ROWS_PER_W = NUM_ROWS // NW
BLOCKS_PER_W = IDX_ROWS // NW
STREAMS = 4
CHUNK = STREAMS * IDX_MINOR
BATCH_PER_CHUNK = CHUNK // L
NBUF = 2
CHUNKS = BLOCKS_PER_W // STREAMS
GROUPS = CHUNKS // NBUF


@functools.partial(
    pl.kernel,
    out_type=jax.ShapeDtypeStruct((B, PADL, 2 * EMB), jnp.float32),
    scratch_types=[
        pltpu.VMEM((BLOCKS_PER_W, IDX_MINOR), jnp.int32),
        pltpu.VMEM((NBUF, CHUNK, EMB), jnp.float32),
        pltpu.SemaphoreType.DMA((NBUF,)),
        pltpu.SemaphoreType.DMA((NBUF,)),
    ],
    compiler_params=pltpu.CompilerParams(use_tc_tiling_on_sc=False),
    **_MESH,
)
def _gather_kernel(table_hbm, idx_hbm, out_hbm, idx_v, rows_v, gsem, ssem):
    wid = _wid()
    base_blk = wid * BLOCKS_PER_W
    base_b = wid * (ROWS_PER_W // L)

    pltpu.sync_copy(idx_hbm.at[pl.ds(base_blk, BLOCKS_PER_W)], idx_v)

    def fire_gather(chunk, slot):
        for j in range(STREAMS):
            pltpu.async_copy(
                table_hbm.at[idx_v.at[chunk * STREAMS + j]],
                rows_v.at[slot].at[pl.ds(j * IDX_MINOR, IDX_MINOR)],
                gsem.at[slot],
            )

    def wait_gather(slot):
        pltpu.make_async_copy(
            table_hbm.at[pl.ds(0, CHUNK)], rows_v.at[slot], gsem.at[slot]
        ).wait()

    def dummy_store(slot):
        return pltpu.make_async_copy(
            rows_v.at[slot].at[pl.ds(0, L)],
            out_hbm.at[0].at[pl.ds(0, L), pl.ds(0, EMB)],
            ssem.at[slot],
        )

    for s in range(NBUF):
        fire_gather(s, s)

    def group_body(g, carry):
        for s in range(NBUF):
            i = g * NBUF + s
            wait_gather(s)
            for j in range(BATCH_PER_CHUNK):
                b = base_b + i * BATCH_PER_CHUNK + j
                pltpu.async_copy(
                    rows_v.at[s].at[pl.ds(j * L, L)],
                    out_hbm.at[b].at[pl.ds(0, L), pl.ds(0, EMB)],
                    ssem.at[s],
                )
            for j in range(BATCH_PER_CHUNK):
                dummy_store(s).wait()

            @pl.when(g < GROUPS - 1)
            def _():
                fire_gather(i + NBUF, s)

        return carry

    lax.fori_loop(0, GROUPS, group_body, 0)


def kernel(data, ivectors):
    idx = data.reshape(-1).astype(jnp.int32).reshape(IDX_ROWS, IDX_MINOR)
    big = _gather_kernel(ivectors, idx)
    return big[:, :L, :EMB]

# --- scband reference (transcript-rebuilt; emitter-appended) ---
"""Pipeline reference for scband-word2-vec-27736898797827 (READ-ONLY COPY).

The authoritative reference and input builder live on the scoring server;
editing this copy changes nothing except your own understanding.
"""

import jax, jax.numpy as jnp
import numpy as np

VOCAB = 1000000
EMB = 64
B = 16384
L = 50


def setup_inputs(seed: int = 0) -> dict:
    key = jax.random.key(seed)
    k1, k2 = jax.random.split(key)
    data = jax.random.randint(k1, (B, L), 0, VOCAB, dtype=jnp.int64 if jax.config.jax_enable_x64 else jnp.int32)
    # ivectors table: row 0 is the padding row (zeros), rest uniform(-0.5/emb, 0.5/emb)
    body = jax.random.uniform(k2, (VOCAB - 1, EMB), minval=-0.5 / EMB, maxval=0.5 / EMB, dtype=jnp.float32)
    ivectors = jnp.concatenate([jnp.zeros((1, EMB), dtype=jnp.float32), body], axis=0)
    return {"data": data, "ivectors": ivectors}


def reference(data, ivectors):
    # Word2Vec.forward -> forward_i: embedding lookup into ivectors table
    return jnp.take(ivectors, data, axis=0)

if __name__ == "__main__":
    import jax
    _d = setup_inputs()
    print(jax.jit(kernel)(*tuple(_d.values())))

</pallas_src>

<mosaic_0001>
#map = affine_map<(d0, d1) -> (0, 0)>
#map1 = affine_map<(d0, d1) -> (0, 0, 0)>
module attributes {stable_mosaic.version = 14 : i64} {
  func.func @_gather_kernel(%arg0: i32, %arg1: i32, %arg2: memref<1000000x64xf32, #tpu.memory_space<hbm>>, %arg3: memref<8192x100xi32, #tpu.memory_space<hbm>>, %arg4: memref<16384x56x128xf32, #tpu.memory_space<hbm>>, %arg5: memref<256x100xi32, #tpu.memory_space<vmem>>, %arg6: memref<2x400x64xf32, #tpu.memory_space<vmem>>, %arg7: memref<2x!tpu.dma_semaphore, #tpu.memory_space<semaphore_mem>>, %arg8: memref<2x!tpu.dma_semaphore, #tpu.memory_space<semaphore_mem>>) attributes {dimension_semantics = [#tpu.dimension_semantics<core_parallel>, #tpu.dimension_semantics<subcore_parallel>], iteration_bounds = array<i64: 2, 16>, scalar_prefetch = 0 : i64, scratch_operands = 4 : i64, tpu.core_type = #tpu.core_type<sc_vector_subcore>, window_params = [{transform_indices = #map}, {transform_indices = #map}, {transform_indices = #map1}]} {
    %mul3A = arith.constant 2 : i32
    %mul3A_0 = arith.muli %arg1, %mul3A : i32
    %add3A = arith.addi %mul3A_0, %arg0 : i32
    %mul3A_1 = arith.constant 256 : i32
    %mul3A_2 = arith.muli %add3A, %mul3A_1 : i32
    %mul3A_3 = arith.constant 512 : i32
    %mul3A_4 = arith.muli %add3A, %mul3A_3 : i32
    "tpu.region"() ({
      %run_scoped3A = tpu.sem_alloc : memref<!tpu.dma_semaphore, #tpu.memory_space<semaphore_mem>>
      %dma_start3A_153 = arith.constant 0 : i32
      %dma_start3A_154 = tpu.memref_slice %arg3[%mul3A_2, %dma_start3A_153] : memref<8192x100xi32, #tpu.memory_space<hbm>> -> memref<256x100xi32, #tpu.memory_space<hbm>>
      %dma_start3A_155 = arith.constant 0 : i32
      %dma_start3A_156 = tpu.memref_slice %arg3[%mul3A_2, %dma_start3A_155] : memref<8192x100xi32, #tpu.memory_space<hbm>> -> memref<256x100xi32, #tpu.memory_space<hbm>>
      tpu.enqueue_dma source(%dma_start3A_156 : memref<256x100xi32, #tpu.memory_space<hbm>>) target(%arg5 : memref<256x100xi32, #tpu.memory_space<vmem>>) target_semaphore(%run_scoped3A : memref<!tpu.dma_semaphore, #tpu.memory_space<semaphore_mem>>)
      %dma_wait3A = arith.constant 0 : i32
      %dma_wait3A_157 = tpu.memref_slice %arg3[%mul3A_2, %dma_wait3A] : memref<8192x100xi32, #tpu.memory_space<hbm>> -> memref<256x100xi32, #tpu.memory_space<hbm>>
      %dma_wait3A_158 = arith.constant 0 : i32
      %dma_wait3A_159 = tpu.memref_slice %arg3[%mul3A_2, %dma_wait3A_158] : memref<8192x100xi32, #tpu.memory_space<hbm>> -> memref<256x100xi32, #tpu.memory_space<hbm>>
      tpu.wait_dma2 semaphore(%run_scoped3A : memref<!tpu.dma_semaphore, #tpu.memory_space<semaphore_mem>>) src(%dma_wait3A_159 : memref<256x100xi32, #tpu.memory_space<hbm>>) dst(%arg5 : memref<256x100xi32, #tpu.memory_space<vmem>>)
      tpu.yield
    }) : () -> ()
    %dma_start3A = arith.constant 0 : i32
    %dma_start3A_5 = arith.constant 0 : i32
    %dma_start3A_6 = arith.constant 0 : i32
    %dma_start3A_7 = arith.constant 0 : i32
    %dma_start3A_8 = arith.constant 0 : i32
    %dma_start3A_9 = tpu.memref_slice %arg6[%dma_start3A_5, %dma_start3A_7, %dma_start3A_8] : memref<2x400x64xf32, #tpu.memory_space<vmem>> -> memref<1x400x64xf32, #tpu.memory_space<vmem>>
    %dma_start3A_10 = tpu.memref_squeeze %dma_start3A_9 : memref<1x400x64xf32, #tpu.memory_space<vmem>> -> memref<400x64xf32, #tpu.memory_space<vmem>>
    %dma_start3A_11 = arith.constant 0 : i32
    %dma_start3A_12 = arith.constant 0 : i32
    %dma_start3A_13 = tpu.memref_slice %dma_start3A_10[%dma_start3A_11, %dma_start3A_12] : memref<400x64xf32, #tpu.memory_space<vmem>> -> memref<100x64xf32, #tpu.memory_space<vmem>>
    %dma_start3A_14 = arith.constant 0 : i32
    %dma_start3A_15 = tpu.memref_slice %arg5[%dma_start3A, %dma_start3A_14] : memref<256x100xi32, #tpu.memory_space<vmem>> -> memref<1x100xi32, #tpu.memory_space<vmem>>
    %dma_start3A_16 = tpu.memref_squeeze %dma_start3A_15 : memref<1x100xi32, #tpu.memory_space<vmem>> -> memref<100xi32, #tpu.memory_space<vmem>>
    %dma_start3A_17 = arith.constant 0 : i32
    %dma_start3A_18 = arith.constant 0 : i32
    %dma_start3A_19 = tpu.memref_slice %arg2[%dma_start3A_17, %dma_start3A_18] : memref<1000000x64xf32, #tpu.memory_space<hbm>> -> memref<1000000x64xf32, #tpu.memory_space<hbm>>
    %dma_start3A_20 = tpu.memref_slice %arg7[%dma_start3A_6] : memref<2x!tpu.dma_semaphore, #tpu.memory_space<semaphore_mem>> -> memref<1x!tpu.dma_semaphore, #tpu.memory_space<semaphore_mem>>
    %dma_start3A_21 = tpu.memref_squeeze %dma_start3A_20 : memref<1x!tpu.dma_semaphore, #tpu.memory_space<semaphore_mem>> -> memref<!tpu.dma_semaphore, #tpu.memory_space<semaphore_mem>>
    tpu.enqueue_indirect_dma source(%dma_start3A_19 : memref<1000000x64xf32, #tpu.memory_space<hbm>>) target(%dma_start3A_13 : memref<100x64xf32, #tpu.memory_space<vmem>>) offsets(%dma_start3A_16 : memref<100xi32, #tpu.memory_space<vmem>>) semaphore(%dma_start3A_21 : memref<!tpu.dma_semaphore, #tpu.memory_space<semaphore_mem>>)
    %dma_start3A_22 = arith.constant 1 : i32
    %dma_start3A_23 = arith.constant 0 : i32
    %dma_start3A_24 = arith.constant 0 : i32
    %dma_start3A_25 = arith.constant 0 : i32
    %dma_start3A_26 = arith.constant 0 : i32
    %dma_start3A_27 = tpu.memref_slice %arg6[%dma_start3A_23, %dma_start3A_25, %dma_start3A_26] : memref<2x400x64xf32, #tpu.memory_space<vmem>> -> memref<1x400x64xf32, #tpu.memory_space<vmem>>
    %dma_start3A_28 = tpu.memref_squeeze %dma_start3A_27 : memref<1x400x64xf32, #tpu.memory_space<vmem>> -> memref<400x64xf32, #tpu.memory_space<vmem>>
    %dma_start3A_29 = arith.constant 100 : i32
    %dma_start3A_30 = arith.constant 0 : i32
    %dma_start3A_31 = tpu.memref_slice %dma_start3A_28[%dma_start3A_29, %dma_start3A_30] : memref<400x64xf32, #tpu.memory_space<vmem>> -> memref<100x64xf32, #tpu.memory_space<vmem>>
    %dma_start3A_32 = arith.constant 0 : i32
    %dma_start3A_33 = tpu.memref_slice %arg5[%dma_start3A_22, %dma_start3A_32] : memref<256x100xi32, #tpu.memory_space<vmem>> -> memref<1x100xi32, #tpu.memory_space<vmem>>
    %dma_start3A_34 = tpu.memref_squeeze %dma_start3A_33 : memref<1x100xi32, #tpu.memory_space<vmem>> -> memref<100xi32, #tpu.memory_space<vmem>>
    %dma_start3A_35 = arith.constant 0 : i32
    %dma_start3A_36 = arith.constant 0 : i32
    %dma_start3A_37 = tpu.memref_slice %arg2[%dma_start3A_35, %dma_start3A_36] : memref<1000000x64xf32, #tpu.memory_space<hbm>> -> memref<1000000x64xf32, #tpu.memory_space<hbm>>
    %dma_start3A_38 = tpu.memref_slice %arg7[%dma_start3A_24] : memref<2x!tpu.dma_semaphore, #tpu.memory_space<semaphore_mem>> -> memref<1x!tpu.dma_semaphore, #tpu.memory_space<semaphore_mem>>
    %dma_start3A_39 = tpu.memref_squeeze %dma_start3A_38 : memref<1x!tpu.dma_semaphore, #tpu.memory_space<semaphore_mem>> -> memref<!tpu.dma_semaphore, #tpu.memory_space<semaphore_mem>>
    tpu.enqueue_indirect_dma source(%dma_start3A_37 : memref<1000000x64xf32, #tpu.memory_space<hbm>>) target(%dma_start3A_31 : memref<100x64xf32, #tpu.memory_space<vmem>>) offsets(%dma_start3A_34 : memref<100xi32, #tpu.memory_space<vmem>>) semaphore(%dma_start3A_39 : memref<!tpu.dma_semaphore, #tpu.memory_space<semaphore_mem>>)
    %dma_start3A_40 = arith.constant 2 : i32
    %dma_start3A_41 = arith.constant 0 : i32
    %dma_start3A_42 = arith.constant 0 : i32
    %dma_start3A_43 = arith.constant 0 : i32
    %dma_start3A_44 = arith.constant 0 : i32
    %dma_start3A_45 = tpu.memref_slice %arg6[%dma_start3A_41, %dma_start3A_43, %dma_start3A_44] : memref<2x400x64xf32, #tpu.memory_space<vmem>> -> memref<1x400x64xf32, #tpu.memory_space<vmem>>
    %dma_start3A_46 = tpu.memref_squeeze %dma_start3A_45 : memref<1x400x64xf32, #tpu.memory_space<vmem>> -> memref<400x64xf32, #tpu.memory_space<vmem>>
    %dma_start3A_47 = arith.constant 200 : i32
    %dma_start3A_48 = arith.constant 0 : i32
    %dma_start3A_49 = tpu.memref_slice %dma_start3A_46[%dma_start3A_47, %dma_start3A_48] : memref<400x64xf32, #tpu.memory_space<vmem>> -> memref<100x64xf32, #tpu.memory_space<vmem>>
    %dma_start3A_50 = arith.constant 0 : i32
    %dma_start3A_51 = tpu.memref_slice %arg5[%dma_start3A_40, %dma_start3A_50] : memref<256x100xi32, #tpu.memory_space<vmem>> -> memref<1x100xi32, #tpu.memory_space<vmem>>
    %dma_start3A_52 = tpu.memref_squeeze %dma_start3A_51 : memref<1x100xi32, #tpu.memory_space<vmem>> -> memref<100xi32, #tpu.memory_space<vmem>>
    %dma_start3A_53 = arith.constant 0 : i32
    %dma_start3A_54 = arith.constant 0 : i32
    %dma_start3A_55 = tpu.memref_slice %arg2[%dma_start3A_53, %dma_start3A_54] : memref<1000000x64xf32, #tpu.memory_space<hbm>> -> memref<1000000x64xf32, #tpu.memory_space<hbm>>
    %dma_start3A_56 = tpu.memref_slice %arg7[%dma_start3A_42] : memref<2x!tpu.dma_semaphore, #tpu.memory_space<semaphore_mem>> -> memref<1x!tpu.dma_semaphore, #tpu.memory_space<semaphore_mem>>
    %dma_start3A_57 = tpu.memref_squeeze %dma_start3A_56 : memref<1x!tpu.dma_semaphore, #tpu.memory_space<semaphore_mem>> -> memref<!tpu.dma_semaphore, #tpu.memory_space<semaphore_mem>>
    tpu.enqueue_indirect_dma source(%dma_start3A_55 : memref<1000000x64xf32, #tpu.memory_space<hbm>>) target(%dma_start3A_49 : memref<100x64xf32, #tpu.memory_space<vmem>>) offsets(%dma_start3A_52 : memref<100xi32, #tpu.memory_space<vmem>>) semaphore(%dma_start3A_57 : memref<!tpu.dma_semaphore, #tpu.memory_space<semaphore_mem>>)
    %dma_start3A_58 = arith.constant 3 : i32
    %dma_start3A_59 = arith.constant 0 : i32
    %dma_start3A_60 = arith.constant 0 : i32
    %dma_start3A_61 = arith.constant 0 : i32
    %dma_start3A_62 = arith.constant 0 : i32
    %dma_start3A_63 = tpu.memref_slice %arg6[%dma_start3A_59, %dma_start3A_61, %dma_start3A_62] : memref<2x400x64xf32, #tpu.memory_space<vmem>> -> memref<1x400x64xf32, #tpu.memory_space<vmem>>
    %dma_start3A_64 = tpu.memref_squeeze %dma_start3A_63 : memref<1x400x64xf32, #tpu.memory_space<vmem>> -> memref<400x64xf32, #tpu.memory_space<vmem>>
    %dma_start3A_65 = arith.constant 300 : i32
    %dma_start3A_66 = arith.constant 0 : i32
    %dma_start3A_67 = tpu.memref_slice %dma_start3A_64[%dma_start3A_65, %dma_start3A_66] : memref<400x64xf32, #tpu.memory_space<vmem>> -> memref<100x64xf32, #tpu.memory_space<vmem>>
    %dma_start3A_68 = arith.constant 0 : i32
    %dma_start3A_69 = tpu.memref_slice %arg5[%dma_start3A_58, %dma_start3A_68] : memref<256x100xi32, #tpu.memory_space<vmem>> -> memref<1x100xi32, #tpu.memory_space<vmem>>
    %dma_start3A_70 = tpu.memref_squeeze %dma_start3A_69 : memref<1x100xi32, #tpu.memory_space<vmem>> -> memref<100xi32, #tpu.memory_space<vmem>>
    %dma_start3A_71 = arith.constant 0 : i32
    %dma_start3A_72 = arith.constant 0 : i32
    %dma_start3A_73 = tpu.memref_slice %arg2[%dma_start3A_71, %dma_start3A_72] : memref<1000000x64xf32, #tpu.memory_space<hbm>> -> memref<1000000x64xf32, #tpu.memory_space<hbm>>
    %dma_start3A_74 = tpu.memref_slice %arg7[%dma_start3A_60] : memref<2x!tpu.dma_semaphore, #tpu.memory_space<semaphore_mem>> -> memref<1x!tpu.dma_semaphore, #tpu.memory_space<semaphore_mem>>
    %dma_start3A_75 = tpu.memref_squeeze %dma_start3A_74 : memref<1x!tpu.dma_semaphore, #tpu.memory_space<semaphore_mem>> -> memref<!tpu.dma_semaphore, #tpu.memory_space<semaphore_mem>>
    tpu.enqueue_indirect_dma source(%dma_start3A_73 : memref<1000000x64xf32, #tpu.memory_space<hbm>>) target(%dma_start3A_67 : memref<100x64xf32, #tpu.memory_space<vmem>>) offsets(%dma_start3A_70 : memref<100xi32, #tpu.memory_space<vmem>>) semaphore(%dma_start3A_75 : memref<!tpu.dma_semaphore, #tpu.memory_space<semaphore_mem>>)
    %dma_start3A_76 = arith.constant 4 : i32
    %dma_start3A_77 = arith.constant 1 : i32
    %dma_start3A_78 = arith.constant 1 : i32
    %dma_start3A_79 = arith.constant 0 : i32
    %dma_start3A_80 = arith.constant 0 : i32
    %dma_start3A_81 = tpu.memref_slice %arg6[%dma_start3A_77, %dma_start3A_79, %dma_start3A_80] : memref<2x400x64xf32, #tpu.memory_space<vmem>> -> memref<1x400x64xf32, #tpu.memory_space<vmem>>
    %dma_start3A_82 = tpu.memref_squeeze %dma_start3A_81 : memref<1x400x64xf32, #tpu.memory_space<vmem>> -> memref<400x64xf32, #tpu.memory_space<vmem>>
    %dma_start3A_83 = arith.constant 0 : i32
    %dma_start3A_84 = arith.constant 0 : i32
    %dma_start3A_85 = tpu.memref_slice %dma_start3A_82[%dma_start3A_83, %dma_start3A_84] : memref<400x64xf32, #tpu.memory_space<vmem>> -> memref<100x64xf32, #tpu.memory_space<vmem>>
    %dma_start3A_86 = arith.constant 0 : i32
    %dma_start3A_87 = tpu.memref_slice %arg5[%dma_start3A_76, %dma_start3A_86] : memref<256x100xi32, #tpu.memory_space<vmem>> -> memref<1x100xi32, #tpu.memory_space<vmem>>
    %dma_start3A_88 = tpu.memref_squeeze %dma_start3A_87 : memref<1x100xi32, #tpu.memory_space<vmem>> -> memref<100xi32, #tpu.memory_space<vmem>>
    %dma_start3A_89 = arith.constant 0 : i32
    %dma_start3A_90 = arith.constant 0 : i32
    %dma_start3A_91 = tpu.memref_slice %arg2[%dma_start3A_89, %dma_start3A_90] : memref<1000000x64xf32, #tpu.memory_space<hbm>> -> memref<1000000x64xf32, #tpu.memory_space<hbm>>
    %dma_start3A_92 = tpu.memref_slice %arg7[%dma_start3A_78] : memref<2x!tpu.dma_semaphore, #tpu.memory_space<semaphore_mem>> -> memref<1x!tpu.dma_semaphore, #tpu.memory_space<semaphore_mem>>
    %dma_start3A_93 = tpu.memref_squeeze %dma_start3A_92 : memref<1x!tpu.dma_semaphore, #tpu.memory_space<semaphore_mem>> -> memref<!tpu.dma_semaphore, #tpu.memory_space<semaphore_mem>>
    tpu.enqueue_indirect_dma source(%dma_start3A_91 : memref<1000000x64xf32, #tpu.memory_space<hbm>>) target(%dma_start3A_85 : memref<100x64xf32, #tpu.memory_space<vmem>>) offsets(%dma_start3A_88 : memref<100xi32, #tpu.memory_space<vmem>>) semaphore(%dma_start3A_93 : memref<!tpu.dma_semaphore, #tpu.memory_space<semaphore_mem>>)
    %dma_start3A_94 = arith.constant 5 : i32
    %dma_start3A_95 = arith.constant 1 : i32
    %dma_start3A_96 = arith.constant 1 : i32
    %dma_start3A_97 = arith.constant 0 : i32
    %dma_start3A_98 = arith.constant 0 : i32
    %dma_start3A_99 = tpu.memref_slice %arg6[%dma_start3A_95, %dma_start3A_97, %dma_start3A_98] : memref<2x400x64xf32, #tpu.memory_space<vmem>> -> memref<1x400x64xf32, #tpu.memory_space<vmem>>
    %dma_start3A_100 = tpu.memref_squeeze %dma_start3A_99 : memref<1x400x64xf32, #tpu.memory_space<vmem>> -> memref<400x64xf32, #tpu.memory_space<vmem>>
    %dma_start3A_101 = arith.constant 100 : i32
    %dma_start3A_102 = arith.constant 0 : i32
    %dma_start3A_103 = tpu.memref_slice %dma_start3A_100[%dma_start3A_101, %dma_start3A_102] : memref<400x64xf32, #tpu.memory_space<vmem>> -> memref<100x64xf32, #tpu.memory_space<vmem>>
    %dma_start3A_104 = arith.constant 0 : i32
    %dma_start3A_105 = tpu.memref_slice %arg5[%dma_start3A_94, %dma_start3A_104] : memref<256x100xi32, #tpu.memory_space<vmem>> -> memref<1x100xi32, #tpu.memory_space<vmem>>
    %dma_start3A_106 = tpu.memref_squeeze %dma_start3A_105 : memref<1x100xi32, #tpu.memory_space<vmem>> -> memref<100xi32, #tpu.memory_space<vmem>>
    %dma_start3A_107 = arith.constant 0 : i32
    %dma_start3A_108 = arith.constant 0 : i32
    %dma_start3A_109 = tpu.memref_slice %arg2[%dma_start3A_107, %dma_start3A_108] : memref<1000000x64xf32, #tpu.memory_space<hbm>> -> memref<1000000x64xf32, #tpu.memory_space<hbm>>
    %dma_start3A_110 = tpu.memref_slice %arg7[%dma_start3A_96] : memref<2x!tpu.dma_semaphore, #tpu.memory_space<semaphore_mem>> -> memref<1x!tpu.dma_semaphore, #tpu.memory_space<semaphore_mem>>
    %dma_start3A_111 = tpu.memref_squeeze %dma_start3A_110 : memref<1x!tpu.dma_semaphore, #tpu.memory_space<semaphore_mem>> -> memref<!tpu.dma_semaphore, #tpu.memory_space<semaphore_mem>>
    tpu.enqueue_indirect_dma source(%dma_start3A_109 : memref<1000000x64xf32, #tpu.memory_space<hbm>>) target(%dma_start3A_103 : memref<100x64xf32, #tpu.memory_space<vmem>>) offsets(%dma_start3A_106 : memref<100xi32, #tpu.memory_space<vmem>>) semaphore(%dma_start3A_111 : memref<!tpu.dma_semaphore, #tpu.memory_space<semaphore_mem>>)
    %dma_start3A_112 = arith.constant 6 : i32
    %dma_start3A_113 = arith.constant 1 : i32
    %dma_start3A_114 = arith.constant 1 : i32
    %dma_start3A_115 = arith.constant 0 : i32
    %dma_start3A_116 = arith.constant 0 : i32
    %dma_start3A_117 = tpu.memref_slice %arg6[%dma_start3A_113, %dma_start3A_115, %dma_start3A_116] : memref<2x400x64xf32, #tpu.memory_space<vmem>> -> memref<1x400x64xf32, #tpu.memory_space<vmem>>
    %dma_start3A_118 = tpu.memref_squeeze %dma_start3A_117 : memref<1x400x64xf32, #tpu.memory_space<vmem>> -> memref<400x64xf32, #tpu.memory_space<vmem>>
    %dma_start3A_119 = arith.constant 200 : i32
    %dma_start3A_120 = arith.constant 0 : i32
    %dma_start3A_121 = tpu.memref_slice %dma_start3A_118[%dma_start3A_119, %dma_start3A_120] : memref<400x64xf32, #tpu.memory_space<vmem>> -> memref<100x64xf32, #tpu.memory_space<vmem>>
    %dma_start3A_122 = arith.constant 0 : i32
    %dma_start3A_123 = tpu.memref_slice %arg5[%dma_start3A_112, %dma_start3A_122] : memref<256x100xi32, #tpu.memory_space<vmem>> -> memref<1x100xi32, #tpu.memory_space<vmem>>
    %dma_start3A_124 = tpu.memref_squeeze %dma_start3A_123 : memref<1x100xi32, #tpu.memory_space<vmem>> -> memref<100xi32, #tpu.memory_space<vmem>>
    %dma_start3A_125 = arith.constant 0 : i32
    %dma_start3A_126 = arith.constant 0 : i32
    %dma_start3A_127 = tpu.memref_slice %arg2[%dma_start3A_125, %dma_start3A_126] : memref<1000000x64xf32, #tpu.memory_space<hbm>> -> memref<1000000x64xf32, #tpu.memory_space<hbm>>
    %dma_start3A_128 = tpu.memref_slice %arg7[%dma_start3A_114] : memref<2x!tpu.dma_semaphore, #tpu.memory_space<semaphore_mem>> -> memref<1x!tpu.dma_semaphore, #tpu.memory_space<semaphore_mem>>
    %dma_start3A_129 = tpu.memref_squeeze %dma_start3A_128 : memref<1x!tpu.dma_semaphore, #tpu.memory_space<semaphore_mem>> -> memref<!tpu.dma_semaphore, #tpu.memory_space<semaphore_mem>>
    tpu.enqueue_indirect_dma source(%dma_start3A_127 : memref<1000000x64xf32, #tpu.memory_space<hbm>>) target(%dma_start3A_121 : memref<100x64xf32, #tpu.memory_space<vmem>>) offsets(%dma_start3A_124 : memref<100xi32, #tpu.memory_space<vmem>>) semaphore(%dma_start3A_129 : memref<!tpu.dma_semaphore, #tpu.memory_space<semaphore_mem>>)
    %dma_start3A_130 = arith.constant 7 : i32
    %dma_start3A_131 = arith.constant 1 : i32
    %dma_start3A_132 = arith.constant 1 : i32
    %dma_start3A_133 = arith.constant 0 : i32
    %dma_start3A_134 = arith.constant 0 : i32
    %dma_start3A_135 = tpu.memref_slice %arg6[%dma_start3A_131, %dma_start3A_133, %dma_start3A_134] : memref<2x400x64xf32, #tpu.memory_space<vmem>> -> memref<1x400x64xf32, #tpu.memory_space<vmem>>
    %dma_start3A_136 = tpu.memref_squeeze %dma_start3A_135 : memref<1x400x64xf32, #tpu.memory_space<vmem>> -> memref<400x64xf32, #tpu.memory_space<vmem>>
    %dma_start3A_137 = arith.constant 300 : i32
    %dma_start3A_138 = arith.constant 0 : i32
    %dma_start3A_139 = tpu.memref_slice %dma_start3A_136[%dma_start3A_137, %dma_start3A_138] : memref<400x64xf32, #tpu.memory_space<vmem>> -> memref<100x64xf32, #tpu.memory_space<vmem>>
    %dma_start3A_140 = arith.constant 0 : i32
    %dma_start3A_141 = tpu.memref_slice %arg5[%dma_start3A_130, %dma_start3A_140] : memref<256x100xi32, #tpu.memory_space<vmem>> -> memref<1x100xi32, #tpu.memory_space<vmem>>
    %dma_start3A_142 = tpu.memref_squeeze %dma_start3A_141 : memref<1x100xi32, #tpu.memory_space<vmem>> -> memref<100xi32, #tpu.memory_space<vmem>>
    %dma_start3A_143 = arith.constant 0 : i32
    %dma_start3A_144 = arith.constant 0 : i32
    %dma_start3A_145 = tpu.memref_slice %arg2[%dma_start3A_143, %dma_start3A_144] : memref<1000000x64xf32, #tpu.memory_space<hbm>> -> memref<1000000x64xf32, #tpu.memory_space<hbm>>
    %dma_start3A_146 = tpu.memref_slice %arg7[%dma_start3A_132] : memref<2x!tpu.dma_semaphore, #tpu.memory_space<semaphore_mem>> -> memref<1x!tpu.dma_semaphore, #tpu.memory_space<semaphore_mem>>
    %dma_start3A_147 = tpu.memref_squeeze %dma_start3A_146 : memref<1x!tpu.dma_semaphore, #tpu.memory_space<semaphore_mem>> -> memref<!tpu.dma_semaphore, #tpu.memory_space<semaphore_mem>>
    tpu.enqueue_indirect_dma source(%dma_start3A_145 : memref<1000000x64xf32, #tpu.memory_space<hbm>>) target(%dma_start3A_139 : memref<100x64xf32, #tpu.memory_space<vmem>>) offsets(%dma_start3A_142 : memref<100xi32, #tpu.memory_space<vmem>>) semaphore(%dma_start3A_147 : memref<!tpu.dma_semaphore, #tpu.memory_space<semaphore_mem>>)
    %scan3A = arith.constant 0 : i32
    %scan3A_148 = arith.constant 0 : i32
    %scan3A_149 = arith.constant 32 : i32
    %scan3A_150 = arith.addi %scan3A_148, %scan3A_149 : i32
    %scan3A_151 = arith.constant 1 : i32
    scf.for %scan3A_153 = %scan3A_148 to %scan3A_150 step %scan3A_151  : i32 {
      %mul3A_154 = arith.constant 2 : i32
      %mul3A_155 = arith.muli %scan3A_153, %mul3A_154 : i32
      %add3A_156 = arith.constant 0 : i32
      %add3A_157 = arith.addi %mul3A_155, %add3A_156 : i32
      %dma_wait3A = arith.constant 0 : i32
      %dma_wait3A_158 = arith.constant 0 : i32
      %dma_wait3A_159 = arith.constant 0 : i32
      %dma_wait3A_160 = arith.constant 0 : i32
      %dma_wait3A_161 = tpu.memref_slice %arg6[%dma_wait3A, %dma_wait3A_159, %dma_wait3A_160] : memref<2x400x64xf32, #tpu.memory_space<vmem>> -> memref<1x400x64xf32, #tpu.memory_space<vmem>>
      %dma_wait3A_162 = tpu.memref_squeeze %dma_wait3A_161 : memref<1x400x64xf32, #tpu.memory_space<vmem>> -> memref<400x64xf32, #tpu.memory_space<vmem>>
      %dma_wait3A_163 = arith.constant 0 : i32
      %dma_wait3A_164 = arith.constant 0 : i32
      %dma_wait3A_165 = tpu.memref_slice %arg2[%dma_wait3A_163, %dma_wait3A_164] : memref<1000000x64xf32, #tpu.memory_space<hbm>> -> memref<400x64xf32, #tpu.memory_space<hbm>>
      %dma_wait3A_166 = tpu.memref_slice %arg7[%dma_wait3A_158] : memref<2x!tpu.dma_semaphore, #tpu.memory_space<semaphore_mem>> -> memref<1x!tpu.dma_semaphore, #tpu.memory_space<semaphore_mem>>
      %dma_wait3A_167 = tpu.memref_squeeze %dma_wait3A_166 : memref<1x!tpu.dma_semaphore, #tpu.memory_space<semaphore_mem>> -> memref<!tpu.dma_semaphore, #tpu.memory_space<semaphore_mem>>
      %dma_wait3A_168 = arith.constant 0 : i32
      %dma_wait3A_169 = arith.constant 0 : i32
      %dma_wait3A_170 = tpu.memref_slice %arg6[%dma_wait3A, %dma_wait3A_168, %dma_wait3A_169] : memref<2x400x64xf32, #tpu.memory_space<vmem>> -> memref<1x400x64xf32, #tpu.memory_space<vmem>>
      %dma_wait3A_171 = tpu.memref_squeeze %dma_wait3A_170 : memref<1x400x64xf32, #tpu.memory_space<vmem>> -> memref<400x64xf32, #tpu.memory_space<vmem>>
      %dma_wait3A_172 = arith.constant 0 : i32
      %dma_wait3A_173 = arith.constant 0 : i32
      %dma_wait3A_174 = tpu.memref_slice %arg2[%dma_wait3A_172, %dma_wait3A_173] : memref<1000000x64xf32, #tpu.memory_space<hbm>> -> memref<400x64xf32, #tpu.memory_space<hbm>>
      tpu.wait_dma2 semaphore(%dma_wait3A_167 : memref<!tpu.dma_semaphore, #tpu.memory_space<semaphore_mem>>) src(%dma_wait3A_174 : memref<400x64xf32, #tpu.memory_space<hbm>>) dst(%dma_wait3A_171 : memref<400x64xf32, #tpu.memory_space<vmem>>)
      %mul3A_175 = arith.constant 8 : i32
      %mul3A_176 = arith.muli %add3A_157, %mul3A_175 : i32
      %add3A_177 = arith.addi %mul3A_4, %mul3A_176 : i32
      %add3A_178 = arith.constant 0 : i32
      %add3A_179 = arith.addi %add3A_177, %add3A_178 : i32
      %dma_start3A_180 = arith.constant 0 : i32
      %dma_start3A_181 = arith.constant 0 : i32
      %dma_start3A_182 = arith.constant 0 : i32
      %dma_start3A_183 = arith.constant 0 : i32
      %dma_start3A_184 = tpu.memref_slice %arg6[%dma_start3A_180, %dma_start3A_182, %dma_start3A_183] : memref<2x400x64xf32, #tpu.memory_space<vmem>> -> memref<1x400x64xf32, #tpu.memory_space<vmem>>
      %dma_start3A_185 = tpu.memref_squeeze %dma_start3A_184 : memref<1x400x64xf32, #tpu.memory_space<vmem>> -> memref<400x64xf32, #tpu.memory_space<vmem>>
      %dma_start3A_186 = arith.constant 0 : i32
      %dma_start3A_187 = arith.constant 0 : i32
      %dma_start3A_188 = tpu.memref_slice %dma_start3A_185[%dma_start3A_186, %dma_start3A_187] : memref<400x64xf32, #tpu.memory_space<vmem>> -> memref<50x64xf32, #tpu.memory_space<vmem>>
      %dma_start3A_189 = arith.constant 0 : i32
      %dma_start3A_190 = arith.constant 0 : i32
      %dma_start3A_191 = tpu.memref_slice %arg4[%add3A_179, %dma_start3A_189, %dma_start3A_190] : memref<16384x56x128xf32, #tpu.memory_space<hbm>> -> memref<1x56x128xf32, #tpu.memory_space<hbm>>
      %dma_start3A_192 = tpu.memref_squeeze %dma_start3A_191 : memref<1x56x128xf32, #tpu.memory_space<hbm>> -> memref<56x128xf32, #tpu.memory_space<hbm>>
      %dma_start3A_193 = arith.constant 0 : i32
      %dma_start3A_194 = arith.constant 0 : i32
      %dma_start3A_195 = tpu.memref_slice %dma_start3A_192[%dma_start3A_193, %dma_start3A_194] : memref<56x128xf32, #tpu.memory_space<hbm>> -> memref<50x64xf32, #tpu.memory_space<hbm>>
      %dma_start3A_196 = tpu.memref_slice %arg8[%dma_start3A_181] : memref<2x!tpu.dma_semaphore, #tpu.memory_space<semaphore_mem>> -> memref<1x!tpu.dma_semaphore, #tpu.memory_space<semaphore_mem>>
      %dma_start3A_197 = tpu.memref_squeeze %dma_start3A_196 : memref<1x!tpu.dma_semaphore, #tpu.memory_space<semaphore_mem>> -> memref<!tpu.dma_semaphore, #tpu.memory_space<semaphore_mem>>
      %dma_start3A_198 = arith.constant 0 : i32
      %dma_start3A_199 = arith.constant 0 : i32
      %dma_start3A_200 = tpu.memref_slice %arg4[%add3A_179, %dma_start3A_198, %dma_start3A_199] : memref<16384x56x128xf32, #tpu.memory_space<hbm>> -> memref<1x56x128xf32, #tpu.memory_space<hbm>>
      %dma_start3A_201 = tpu.memref_squeeze %dma_start3A_200 : memref<1x56x128xf32, #tpu.memory_space<hbm>> -> memref<56x128xf32, #tpu.memory_space<hbm>>
      %dma_start3A_202 = arith.constant 0 : i32
      %dma_start3A_203 = arith.constant 0 : i32
      %dma_start3A_204 = tpu.memref_slice %dma_start3A_201[%dma_start3A_202, %dma_start3A_203] : memref<56x128xf32, #tpu.memory_space<hbm>> -> memref<50x64xf32, #tpu.memory_space<hbm>>
      %dma_start3A_205 = arith.constant 0 : i32
      %dma_start3A_206 = arith.constant 0 : i32
      %dma_start3A_207 = tpu.memref_slice %arg6[%dma_start3A_180, %dma_start3A_205, %dma_start3A_206] : memref<2x400x64xf32, #tpu.memory_space<vmem>> -> memref<1x400x64xf32, #tpu.memory_space<vmem>>
      %dma_start3A_208 = tpu.memref_squeeze %dma_start3A_207 : memref<1x400x64xf32, #tpu.memory_space<vmem>> -> memref<400x64xf32, #tpu.memory_space<vmem>>
      %dma_start3A_209 = arith.constant 0 : i32
      %dma_start3A_210 = arith.constant 0 : i32
      %dma_start3A_211 = tpu.memref_slice %dma_start3A_208[%dma_start3A_209, %dma_start3A_210] : memref<400x64xf32, #tpu.memory_space<vmem>> -> memref<50x64xf32, #tpu.memory_space<vmem>>
      tpu.enqueue_dma source(%dma_start3A_211 : memref<50x64xf32, #tpu.memory_space<vmem>>) target(%dma_start3A_204 : memref<50x64xf32, #tpu.memory_space<hbm>>) target_semaphore(%dma_start3A_197 : memref<!tpu.dma_semaphore, #tpu.memory_space<semaphore_mem>>)
      %mul3A_212 = arith.constant 8 : i32
      %mul3A_213 = arith.muli %add3A_157, %mul3A_212 : i32
      %add3A_214 = arith.addi %mul3A_4, %mul3A_213 : i32
      %add3A_215 = arith.constant 1 : i32
      %add3A_216 = arith.addi %add3A_214, %add3A_215 : i32
      %dma_start3A_217 = arith.constant 0 : i32
      %dma_start3A_218 = arith.constant 0 : i32
      %dma_start3A_219 = arith.constant 0 : i32
      %dma_start3A_220 = arith.constant 0 : i32
      %dma_start3A_221 = tpu.memref_slice %arg6[%dma_start3A_217, %dma_start3A_219, %dma_start3A_220] : memref<2x400x64xf32, #tpu.memory_space<vmem>> -> memref<1x400x64xf32, #tpu.memory_space<vmem>>
      %dma_start3A_222 = tpu.memref_squeeze %dma_start3A_221 : memref<1x400x64xf32, #tpu.memory_space<vmem>> -> memref<400x64xf32, #tpu.memory_space<vmem>>
      %dma_start3A_223 = arith.constant 50 : i32
      %dma_start3A_224 = arith.constant 0 : i32
      %dma_start3A_225 = tpu.memref_slice %dma_start3A_222[%dma_start3A_223, %dma_start3A_224] : memref<400x64xf32, #tpu.memory_space<vmem>> -> memref<50x64xf32, #tpu.memory_space<vmem>>
      %dma_start3A_226 = arith.constant 0 : i32
      %dma_start3A_227 = arith.constant 0 : i32
      %dma_start3A_228 = tpu.memref_slice %arg4[%add3A_216, %dma_start3A_226, %dma_start3A_227] : memref<16384x56x128xf32, #tpu.memory_space<hbm>> -> memref<1x56x128xf32, #tpu.memory_space<hbm>>
      %dma_start3A_229 = tpu.memref_squeeze %dma_start3A_228 : memref<1x56x128xf32, #tpu.memory_space<hbm>> -> memref<56x128xf32, #tpu.memory_space<hbm>>
      %dma_start3A_230 = arith.constant 0 : i32
      %dma_start3A_231 = arith.constant 0 : i32
      %dma_start3A_232 = tpu.memref_slice %dma_start3A_229[%dma_start3A_230, %dma_start3A_231] : memref<56x128xf32, #tpu.memory_space<hbm>> -> memref<50x64xf32, #tpu.memory_space<hbm>>
      %dma_start3A_233 = tpu.memref_slice %arg8[%dma_start3A_218] : memref<2x!tpu.dma_semaphore, #tpu.memory_space<semaphore_mem>> -> memref<1x!tpu.dma_semaphore, #tpu.memory_space<semaphore_mem>>
      %dma_start3A_234 = tpu.memref_squeeze %dma_start3A_233 : memref<1x!tpu.dma_semaphore, #tpu.memory_space<semaphore_mem>> -> memref<!tpu.dma_semaphore, #tpu.memory_space<semaphore_mem>>
      %dma_start3A_235 = arith.constant 0 : i32
      %dma_start3A_236 = arith.constant 0 : i32
      %dma_start3A_237 = tpu.memref_slice %arg4[%add3A_216, %dma_start3A_235, %dma_start3A_236] : memref<16384x56x128xf32, #tpu.memory_space<hbm>> -> memref<1x56x128xf32, #tpu.memory_space<hbm>>
      %dma_start3A_238 = tpu.memref_squeeze %dma_start3A_237 : memref<1x56x128xf32, #tpu.memory_space<hbm>> -> memref<56x128xf32, #tpu.memory_space<hbm>>
      %dma_start3A_239 = arith.constant 0 : i32
      %dma_start3A_240 = arith.constant 0 : i32
      %dma_start3A_241 = tpu.memref_slice %dma_start3A_238[%dma_start3A_239, %dma_start3A_240] : memref<56x128xf32, #tpu.memory_space<hbm>> -> memref<50x64xf32, #tpu.memory_space<hbm>>
      %dma_start3A_242 = arith.constant 0 : i32
      %dma_start3A_243 = arith.constant 0 : i32
      %dma_start3A_244 = tpu.memref_slice %arg6[%dma_start3A_217, %dma_start3A_242, %dma_start3A_243] : memref<2x400x64xf32, #tpu.memory_space<vmem>> -> memref<1x400x64xf32, #tpu.memory_space<vmem>>
      %dma_start3A_245 = tpu.memref_squeeze %dma_start3A_244 : memref<1x400x64xf32, #tpu.memory_space<vmem>> -> memref<400x64xf32, #tpu.memory_space<vmem>>
      %dma_start3A_246 = arith.constant 50 : i32
      %dma_start3A_247 = arith.constant 0 : i32
      %dma_start3A_248 = tpu.memref_slice %dma_start3A_245[%dma_start3A_246, %dma_start3A_247] : memref<400x64xf32, #tpu.memory_space<vmem>> -> memref<50x64xf32, #tpu.memory_space<vmem>>
      tpu.enqueue_dma source(%dma_start3A_248 : memref<50x64xf32, #tpu.memory_space<vmem>>) target(%dma_start3A_241 : memref<50x64xf32, #tpu.memory_space<hbm>>) target_semaphore(%dma_start3A_234 : memref<!tpu.dma_semaphore, #tpu.memory_space<semaphore_mem>>)
      %mul3A_249 = arith.constant 8 : i32
      %mul3A_250 = arith.muli %add3A_157, %mul3A_249 : i32
      %add3A_251 = arith.addi %mul3A_4, %mul3A_250 : i32
      %add3A_252 = arith.constant 2 : i32
      %add3A_253 = arith.addi %add3A_251, %add3A_252 : i32
      %dma_start3A_254 = arith.constant 0 : i32
      %dma_start3A_255 = arith.constant 0 : i32
      %dma_start3A_256 = arith.constant 0 : i32
      %dma_start3A_257 = arith.constant 0 : i32
      %dma_start3A_258 = tpu.memref_slice %arg6[%dma_start3A_254, %dma_start3A_256, %dma_start3A_257] : memref<2x400x64xf32, #tpu.memory_space<vmem>> -> memref<1x400x64xf32, #tpu.memory_space<vmem>>
      %dma_start3A_259 = tpu.memref_squeeze %dma_start3A_258 : memref<1x400x64xf32, #tpu.memory_space<vmem>> -> memref<400x64xf32, #tpu.memory_space<vmem>>
      %dma_start3A_260 = arith.constant 100 : i32
      %dma_start3A_261 = arith.constant 0 : i32
      %dma_start3A_262 = tpu.memref_slice %dma_start3A_259[%dma_start3A_260, %dma_start3A_261] : memref<400x64xf32, #tpu.memory_space<vmem>> -> memref<50x64xf32, #tpu.memory_space<vmem>>
      %dma_start3A_263 = arith.constant 0 : i32
      %dma_start3A_264 = arith.constant 0 : i32
      %dma_start3A_265 = tpu.memref_slice %arg4[%add3A_253, %dma_start3A_263, %dma_start3A_264] : memref<16384x56x128xf32, #tpu.memory_space<hbm>> -> memref<1x56x128xf32, #tpu.memory_space<hbm>>
      %dma_start3A_266 = tpu.memref_squeeze %dma_start3A_265 : memref<1x56x128xf32, #tpu.memory_space<hbm>> -> memref<56x128xf32, #tpu.memory_space<hbm>>
      %dma_start3A_267 = arith.constant 0 : i32
      %dma_start3A_268 = arith.constant 0 : i32
      %dma_start3A_269 = tpu.memref_slice %dma_start3A_266[%dma_start3A_267, %dma_start3A_268] : memref<56x128xf32, #tpu.memory_space<hbm>> -> memref<50x64xf32, #tpu.memory_space<hbm>>
      %dma_start3A_270 = tpu.memref_slice %arg8[%dma_start3A_255] : memref<2x!tpu.dma_semaphore, #tpu.memory_space<semaphore_mem>> -> memref<1x!tpu.dma_semaphore, #tpu.memory_space<semaphore_mem>>
      %dma_start3A_271 = tpu.memref_squeeze %dma_start3A_270 : memref<1x!tpu.dma_semaphore, #tpu.memory_space<semaphore_mem>> -> memref<!tpu.dma_semaphore, #tpu.memory_space<semaphore_mem>>
      %dma_start3A_272 = arith.constant 0 : i32
      %dma_start3A_273 = arith.constant 0 : i32
      %dma_start3A_274 = tpu.memref_slice %arg4[%add3A_253, %dma_start3A_272, %dma_start3A_273] : memref<16384x56x128xf32, #tpu.memory_space<hbm>> -> memref<1x56x128xf32, #tpu.memory_space<hbm>>
      %dma_start3A_275 = tpu.memref_squeeze %dma_start3A_274 : memref<1x56x128xf32, #tpu.memory_space<hbm>> -> memref<56x128xf32, #tpu.memory_space<hbm>>
      %dma_start3A_276 = arith.constant 0 : i32
      %dma_start3A_277 = arith.constant 0 : i32
      %dma_start3A_278 = tpu.memref_slice %dma_start3A_275[%dma_start3A_276, %dma_start3A_277] : memref<56x128xf32, #tpu.memory_space<hbm>> -> memref<50x64xf32, #tpu.memory_space<hbm>>
      %dma_start3A_279 = arith.constant 0 : i32
      %dma_start3A_280 = arith.constant 0 : i32
      %dma_start3A_281 = tpu.memref_slice %arg6[%dma_start3A_254, %dma_start3A_279, %dma_start3A_280] : memref<2x400x64xf32, #tpu.memory_space<vmem>> -> memref<1x400x64xf32, #tpu.memory_space<vmem>>
      %dma_start3A_282 = tpu.memref_squeeze %dma_start3A_281 : memref<1x400x64xf32, #tpu.memory_space<vmem>> -> memref<400x64xf32, #tpu.memory_space<vmem>>
      %dma_start3A_283 = arith.constant 100 : i32
      %dma_start3A_284 = arith.constant 0 : i32
      %dma_start3A_285 = tpu.memref_slice %dma_start3A_282[%dma_start3A_283, %dma_start3A_284] : memref<400x64xf32, #tpu.memory_space<vmem>> -> memref<50x64xf32, #tpu.memory_space<vmem>>
      tpu.enqueue_dma source(%dma_start3A_285 : memref<50x64xf32, #tpu.memory_space<vmem>>) target(%dma_start3A_278 : memref<50x64xf32, #tpu.memory_space<hbm>>) target_semaphore(%dma_start3A_271 : memref<!tpu.dma_semaphore, #tpu.memory_space<semaphore_mem>>)
      %mul3A_286 = arith.constant 8 : i32
      %mul3A_287 = arith.muli %add3A_157, %mul3A_286 : i32
      %add3A_288 = arith.addi %mul3A_4, %mul3A_287 : i32
      %add3A_289 = arith.constant 3 : i32
      %add3A_290 = arith.addi %add3A_288, %add3A_289 : i32
      %dma_start3A_291 = arith.constant 0 : i32
      %dma_start3A_292 = arith.constant 0 : i32
      %dma_start3A_293 = arith.constant 0 : i32
      %dma_start3A_294 = arith.constant 0 : i32
      %dma_start3A_295 = tpu.memref_slice %arg6[%dma_start3A_291, %dma_start3A_293, %dma_start3A_294] : memref<2x400x64xf32, #tpu.memory_space<vmem>> -> memref<1x400x64xf32, #tpu.memory_space<vmem>>
      %dma_start3A_296 = tpu.memref_squeeze %dma_start3A_295 : memref<1x400x64xf32, #tpu.memory_space<vmem>> -> memref<400x64xf32, #tpu.memory_space<vmem>>
      %dma_start3A_297 = arith.constant 150 : i32
      %dma_start3A_298 = arith.constant 0 : i32
      %dma_start3A_299 = tpu.memref_slice %dma_start3A_296[%dma_start3A_297, %dma_start3A_298] : memref<400x64xf32, #tpu.memory_space<vmem>> -> memref<50x64xf32, #tpu.memory_space<vmem>>
      %dma_start3A_300 = arith.constant 0 : i32
      %dma_start3A_301 = arith.constant 0 : i32
      %dma_start3A_302 = tpu.memref_slice %arg4[%add3A_290, %dma_start3A_300, %dma_start3A_301] : memref<16384x56x128xf32, #tpu.memory_space<hbm>> -> memref<1x56x128xf32, #tpu.memory_space<hbm>>
      %dma_start3A_303 = tpu.memref_squeeze %dma_start3A_302 : memref<1x56x128xf32, #tpu.memory_space<hbm>> -> memref<56x128xf32, #tpu.memory_space<hbm>>
      %dma_start3A_304 = arith.constant 0 : i32
      %dma_start3A_305 = arith.constant 0 : i32
      %dma_start3A_306 = tpu.memref_slice %dma_start3A_303[%dma_start3A_304, %dma_start3A_305] : memref<56x128xf32, #tpu.memory_space<hbm>> -> memref<50x64xf32, #tpu.memory_space<hbm>>
      %dma_start3A_307 = tpu.memref_slice %arg8[%dma_start3A_292] : memref<2x!tpu.dma_semaphore, #tpu.memory_space<semaphore_mem>> -> memref<1x!tpu.dma_semaphore, #tpu.memory_space<semaphore_mem>>
      %dma_start3A_308 = tpu.memref_squeeze %dma_start3A_307 : memref<1x!tpu.dma_semaphore, #tpu.memory_space<semaphore_mem>> -> memref<!tpu.dma_semaphore, #tpu.memory_space<semaphore_mem>>
      %dma_start3A_309 = arith.constant 0 : i32
      %dma_start3A_310 = arith.constant 0 : i32
      %dma_start3A_311 = tpu.memref_slice %arg4[%add3A_290, %dma_start3A_309, %dma_start3A_310] : memref<16384x56x128xf32, #tpu.memory_space<hbm>> -> memref<1x56x128xf32, #tpu.memory_space<hbm>>
      %dma_start3A_312 = tpu.memref_squeeze %dma_start3A_311 : memref<1x56x128xf32, #tpu.memory_space<hbm>> -> memref<56x128xf32, #tpu.memory_space<hbm>>
      %dma_start3A_313 = arith.constant 0 : i32
      %dma_start3A_314 = arith.constant 0 : i32
      %dma_start3A_315 = tpu.memref_slice %dma_start3A_312[%dma_start3A_313, %dma_start3A_314] : memref<56x128xf32, #tpu.memory_space<hbm>> -> memref<50x64xf32, #tpu.memory_space<hbm>>
      %dma_start3A_316 = arith.constant 0 : i32
      %dma_start3A_317 = arith.constant 0 : i32
      %dma_start3A_318 = tpu.memref_slice %arg6[%dma_start3A_291, %dma_start3A_316, %dma_start3A_317] : memref<2x400x64xf32, #tpu.memory_space<vmem>> -> memref<1x400x64xf32, #tpu.memory_space<vmem>>
      %dma_start3A_319 = tpu.memref_squeeze %dma_start3A_318 : memref<1x400x64xf32, #tpu.memory_space<vmem>> -> memref<400x64xf32, #tpu.memory_space<vmem>>
      %dma_start3A_320 = arith.constant 150 : i32
      %dma_start3A_321 = arith.constant 0 : i32
      %dma_start3A_322 = tpu.memref_slice %dma_start3A_319[%dma_start3A_320, %dma_start3A_321] : memref<400x64xf32, #tpu.memory_space<vmem>> -> memref<50x64xf32, #tpu.memory_space<vmem>>
      tpu.enqueue_dma source(%dma_start3A_322 : memref<50x64xf32, #tpu.memory_space<vmem>>) target(%dma_start3A_315 : memref<50x64xf32, #tpu.memory_space<hbm>>) target_semaphore(%dma_start3A_308 : memref<!tpu.dma_semaphore, #tpu.memory_space<semaphore_mem>>)
      %mul3A_323 = arith.constant 8 : i32
      %mul3A_324 = arith.muli %add3A_157, %mul3A_323 : i32
      %add3A_325 = arith.addi %mul3A_4, %mul3A_324 : i32
      %add3A_326 = arith.constant 4 : i32
      %add3A_327 = arith.addi %add3A_325, %add3A_326 : i32
      %dma_start3A_328 = arith.constant 0 : i32
      %dma_start3A_329 = arith.constant 0 : i32
      %dma_start3A_330 = arith.constant 0 : i32
      %dma_start3A_331 = arith.constant 0 : i32
      %dma_start3A_332 = tpu.memref_slice %arg6[%dma_start3A_328, %dma_start3A_330, %dma_start3A_331] : memref<2x400x64xf32, #tpu.memory_space<vmem>> -> memref<1x400x64xf32, #tpu.memory_space<vmem>>
      %dma_start3A_333 = tpu.memref_squeeze %dma_start3A_332 : memref<1x400x64xf32, #tpu.memory_space<vmem>> -> memref<400x64xf32, #tpu.memory_space<vmem>>
      %dma_start3A_334 = arith.constant 200 : i32
      %dma_start3A_335 = arith.constant 0 : i32
      %dma_start3A_336 = tpu.memref_slice %dma_start3A_333[%dma_start3A_334, %dma_start3A_335] : memref<400x64xf32, #tpu.memory_space<vmem>> -> memref<50x64xf32, #tpu.memory_space<vmem>>
      %dma_start3A_337 = arith.constant 0 : i32
      %dma_start3A_338 = arith.constant 0 : i32
      %dma_start3A_339 = tpu.memref_slice %arg4[%add3A_327, %dma_start3A_337, %dma_start3A_338] : memref<16384x56x128xf32, #tpu.memory_space<hbm>> -> memref<1x56x128xf32, #tpu.memory_space<hbm>>
      %dma_start3A_340 = tpu.memref_squeeze %dma_start3A_339 : memref<1x56x128xf32, #tpu.memory_space<hbm>> -> memref<56x128xf32, #tpu.memory_space<hbm>>
      %dma_start3A_341 = arith.constant 0 : i32
      %dma_start3A_342 = arith.constant 0 : i32
      %dma_start3A_343 = tpu.memref_slice %dma_start3A_340[%dma_start3A_341, %dma_start3A_342] : memref<56x128xf32, #tpu.memory_space<hbm>> -> memref<50x64xf32, #tpu.memory_space<hbm>>
      %dma_start3A_344 = tpu.memref_slice %arg8[%dma_start3A_329] : memref<2x!tpu.dma_semaphore, #tpu.memory_space<semaphore_mem>> -> memref<1x!tpu.dma_semaphore, #tpu.memory_space<semaphore_mem>>
      %dma_start3A_345 = tpu.memref_squeeze %dma_start3A_344 : memref<1x!tpu.dma_semaphore, #tpu.memory_space<semaphore_mem>> -> memref<!tpu.dma_semaphore, #tpu.memory_space<semaphore_mem>>
      %dma_start3A_346 = arith.constant 0 : i32
      %dma_start3A_347 = arith.constant 0 : i32
      %dma_start3A_348 = tpu.memref_slice %arg4[%add3A_327, %dma_start3A_346, %dma_start3A_347] : memref<16384x56x128xf32, #tpu.memory_space<hbm>> -> memref<1x56x128xf32, #tpu.memory_space<hbm>>
      %dma_start3A_349 = tpu.memref_squeeze %dma_start3A_348 : memref<1x56x128xf32, #tpu.memory_space<hbm>> -> memref<56x128xf32, #tpu.memory_space<hbm>>
      %dma_start3A_350 = arith.constant 0 : i32
      %dma_start3A_351 = arith.constant 0 : i32
      %dma_start3A_352 = tpu.memref_slice %dma_start3A_349[%dma_start3A_350, %dma_start3A_351] : memref<56x128xf32, #tpu.memory_space<hbm>> -> memref<50x64xf32, #tpu.memory_space<hbm>>
      %dma_start3A_353 = arith.constant 0 : i32
      %dma_start3A_354 = arith.constant 0 : i32
      %dma_start3A_355 = tpu.memref_slice %arg6[%dma_start3A_328, %dma_start3A_353, %dma_start3A_354] : memref<2x400x64xf32, #tpu.memory_space<vmem>> -> memref<1x400x64xf32, #tpu.memory_space<vmem>>
      %dma_start3A_356 = tpu.memref_squeeze %dma_start3A_355 : memref<1x400x64xf32, #tpu.memory_space<vmem>> -> memref<400x64xf32, #tpu.memory_space<vmem>>
      %dma_start3A_357 = arith.constant 200 : i32
      %dma_start3A_358 = arith.constant 0 : i32
      %dma_start3A_359 = tpu.memref_slice %dma_start3A_356[%dma_start3A_357, %dma_start3A_358] : memref<400x64xf32, #tpu.memory_space<vmem>> -> memref<50x64xf32, #tpu.memory_space<vmem>>
      tpu.enqueue_dma source(%dma_start3A_359 : memref<50x64xf32, #tpu.memory_space<vmem>>) target(%dma_start3A_352 : memref<50x64xf32, #tpu.memory_space<hbm>>) target_semaphore(%dma_start3A_345 : memref<!tpu.dma_semaphore, #tpu.memory_space<semaphore_mem>>)
      %mul3A_360 = arith.constant 8 : i32
      %mul3A_361 = arith.muli %add3A_157, %mul3A_360 : i32
      %add3A_362 = arith.addi %mul3A_4, %mul3A_361 : i32
      %add3A_363 = arith.constant 5 : i32
      %add3A_364 = arith.addi %add3A_362, %add3A_363 : i32
      %dma_start3A_365 = arith.constant 0 : i32
      %dma_start3A_366 = arith.constant 0 : i32
      %dma_start3A_367 = arith.constant 0 : i32
      %dma_start3A_368 = arith.constant 0 : i32
      %dma_start3A_369 = tpu.memref_slice %arg6[%dma_start3A_365, %dma_start3A_367, %dma_start3A_368] : memref<2x400x64xf32, #tpu.memory_space<vmem>> -> memref<1x400x64xf32, #tpu.memory_space<vmem>>
      %dma_start3A_370 = tpu.memref_squeeze %dma_start3A_369 : memref<1x400x64xf32, #tpu.memory_space<vmem>> -> memref<400x64xf32, #tpu.memory_space<vmem>>
      %dma_start3A_371 = arith.constant 250 : i32
      %dma_start3A_372 = arith.constant 0 : i32
      %dma_start3A_373 = tpu.memref_slice %dma_start3A_370[%dma_start3A_371, %dma_start3A_372] : memref<400x64xf32, #tpu.memory_space<vmem>> -> memref<50x64xf32, #tpu.memory_space<vmem>>
      %dma_start3A_374 = arith.constant 0 : i32
      %dma_start3A_375 = arith.constant 0 : i32
      %dma_start3A_376 = tpu.memref_slice %arg4[%add3A_364, %dma_start3A_374, %dma_start3A_375] : memref<16384x56x128xf32, #tpu.memory_space<hbm>> -> memref<1x56x128xf32, #tpu.memory_space<hbm>>
      %dma_start3A_377 = tpu.memref_squeeze %dma_start3A_376 : memref<1x56x128xf32, #tpu.memory_space<hbm>> -> memref<56x128xf32, #tpu.memory_space<hbm>>
      %dma_start3A_378 = arith.constant 0 : i32
      %dma_start3A_379 = arith.constant 0 : i32
      %dma_start3A_380 = tpu.memref_slice %dma_start3A_377[%dma_start3A_378, %dma_start3A_379] : memref<56x128xf32, #tpu.memory_space<hbm>> -> memref<50x64xf32, #tpu.memory_space<hbm>>
      %dma_start3A_381 = tpu.memref_slice %arg8[%dma_start3A_366] : memref<2x!tpu.dma_semaphore, #tpu.memory_space<semaphore_mem>> -> memref<1x!tpu.dma_semaphore, #tpu.memory_space<semaphore_mem>>
      %dma_start3A_382 = tpu.memref_squeeze %dma_start3A_381 : memref<1x!tpu.dma_semaphore, #tpu.memory_space<semaphore_mem>> -> memref<!tpu.dma_semaphore, #tpu.memory_space<semaphore_mem>>
      %dma_start3A_383 = arith.constant 0 : i32
      %dma_start3A_384 = arith.constant 0 : i32
      %dma_start3A_385 = tpu.memref_slice %arg4[%add3A_364, %dma_start3A_383, %dma_start3A_384] : memref<16384x56x128xf32, #tpu.memory_space<hbm>> -> memref<1x56x128xf32, #tpu.memory_space<hbm>>
      %dma_start3A_386 = tpu.memref_squeeze %dma_start3A_385 : memref<1x56x128xf32, #tpu.memory_space<hbm>> -> memref<56x128xf32, #tpu.memory_space<hbm>>
      %dma_start3A_387 = arith.constant 0 : i32
      %dma_start3A_388 = arith.constant 0 : i32
      %dma_start3A_389 = tpu.memref_slice %dma_start3A_386[%dma_start3A_387, %dma_start3A_388] : memref<56x128xf32, #tpu.memory_space<hbm>> -> memref<50x64xf32, #tpu.memory_space<hbm>>
      %dma_start3A_390 = arith.constant 0 : i32
      %dma_start3A_391 = arith.constant 0 : i32
      %dma_start3A_392 = tpu.memref_slice %arg6[%dma_start3A_365, %dma_start3A_390, %dma_start3A_391] : memref<2x400x64xf32, #tpu.memory_space<vmem>> -> memref<1x400x64xf32, #tpu.memory_space<vmem>>
      %dma_start3A_393 = tpu.memref_squeeze %dma_start3A_392 : memref<1x400x64xf32, #tpu.memory_space<vmem>> -> memref<400x64xf32, #tpu.memory_space<vmem>>
      %dma_start3A_394 = arith.constant 250 : i32
      %dma_start3A_395 = arith.constant 0 : i32
      %dma_start3A_396 = tpu.memref_slice %dma_start3A_393[%dma_start3A_394, %dma_start3A_395] : memref<400x64xf32, #tpu.memory_space<vmem>> -> memref<50x64xf32, #tpu.memory_space<vmem>>
      tpu.enqueue_dma source(%dma_start3A_396 : memref<50x64xf32, #tpu.memory_space<vmem>>) target(%dma_start3A_389 : memref<50x64xf32, #tpu.memory_space<hbm>>) target_semaphore(%dma_start3A_382 : memref<!tpu.dma_semaphore, #tpu.memory_space<semaphore_mem>>)
      %mul3A_397 = arith.constant 8 : i32
      %mul3A_398 = arith.muli %add3A_157, %mul3A_397 : i32
      %add3A_399 = arith.addi %mul3A_4, %mul3A_398 : i32
      %add3A_400 = arith.constant 6 : i32
      %add3A_401 = arith.addi %add3A_399, %add3A_400 : i32
      %dma_start3A_402 = arith.constant 0 : i32
      %dma_start3A_403 = arith.constant 0 : i32
      %dma_start3A_404 = arith.constant 0 : i32
      %dma_start3A_405 = arith.constant 0 : i32
      %dma_start3A_406 = tpu.memref_slice %arg6[%dma_start3A_402, %dma_start3A_404, %dma_start3A_405] : memref<2x400x64xf32, #tpu.memory_space<vmem>> -> memref<1x400x64xf32, #tpu.memory_space<vmem>>
      %dma_start3A_407 = tpu.memref_squeeze %dma_start3A_406 : memref<1x400x64xf32, #tpu.memory_space<vmem>> -> memref<400x64xf32, #tpu.memory_space<vmem>>
      %dma_start3A_408 = arith.constant 300 : i32
      %dma_start3A_409 = arith.constant 0 : i32
      %dma_start3A_410 = tpu.memref_slice %dma_start3A_407[%dma_start3A_408, %dma_start3A_409] : memref<400x64xf32, #tpu.memory_space<vmem>> -> memref<50x64xf32, #tpu.memory_space<vmem>>
      %dma_start3A_411 = arith.constant 0 : i32
      %dma_start3A_412 = arith.constant 0 : i32
      %dma_start3A_413 = tpu.memref_slice %arg4[%add3A_401, %dma_start3A_411, %dma_start3A_412] : memref<16384x56x128xf32, #tpu.memory_space<hbm>> -> memref<1x56x128xf32, #tpu.memory_space<hbm>>
      %dma_start3A_414 = tpu.memref_squeeze %dma_start3A_413 : memref<1x56x128xf32, #tpu.memory_space<hbm>> -> memref<56x128xf32, #tpu.memory_space<hbm>>
      %dma_start3A_415 = arith.constant 0 : i32
      %dma_start3A_416 = arith.constant 0 : i32
      %dma_start3A_417 = tpu.memref_slice %dma_start3A_414[%dma_start3A_415, %dma_start3A_416] : memref<56x128xf32, #tpu.memory_space<hbm>> -> memref<50x64xf32, #tpu.memory_space<hbm>>
      %dma_start3A_418 = tpu.memref_slice %arg8[%dma_start3A_403] : memref<2x!tpu.dma_semaphore, #tpu.memory_space<semaphore_mem>> -> memref<1x!tpu.dma_semaphore, #tpu.memory_space<semaphore_mem>>
      %dma_start3A_419 = tpu.memref_squeeze %dma_start3A_418 : memref<1x!tpu.dma_semaphore, #tpu.memory_space<semaphore_mem>> -> memref<!tpu.dma_semaphore, #tpu.memory_space<semaphore_mem>>
      %dma_start3A_420 = arith.constant 0 : i32
      %dma_start3A_421 = arith.constant 0 : i32
      %dma_start3A_422 = tpu.memref_slice %arg4[%add3A_401, %dma_start3A_420, %dma_start3A_421] : memref<16384x56x128xf32, #tpu.memory_space<hbm>> -> memref<1x56x128xf32, #tpu.memory_space<hbm>>
      %dma_start3A_423 = tpu.memref_squeeze %dma_start3A_422 : memref<1x56x128xf32, #tpu.memory_space<hbm>> -> memref<56x128xf32, #tpu.memory_space<hbm>>
      %dma_start3A_424 = arith.constant 0 : i32
      %dma_start3A_425 = arith.constant 0 : i32
      %dma_start3A_426 = tpu.memref_slice %dma_start3A_423[%dma_start3A_424, %dma_start3A_425] : memref<56x128xf32, #tpu.memory_space<hbm>> -> memref<50x64xf32, #tpu.memory_space<hbm>>
      %dma_start3A_427 = arith.constant 0 : i32
      %dma_start3A_428 = arith.constant 0 : i32
      %dma_start3A_429 = tpu.memref_slice %arg6[%dma_start3A_402, %dma_start3A_427, %dma_start3A_428] : memref<2x400x64xf32, #tpu.memory_space<vmem>> -> memref<1x400x64xf32, #tpu.memory_space<vmem>>
      %dma_start3A_430 = tpu.memref_squeeze %dma_start3A_429 : memref<1x400x64xf32, #tpu.memory_space<vmem>> -> memref<400x64xf32, #tpu.memory_space<vmem>>
      %dma_start3A_431 = arith.constant 300 : i32
      %dma_start3A_432 = arith.constant 0 : i32
      %dma_start3A_433 = tpu.memref_slice %dma_start3A_430[%dma_start3A_431, %dma_start3A_432] : memref<400x64xf32, #tpu.memory_space<vmem>> -> memref<50x64xf32, #tpu.memory_space<vmem>>
      tpu.enqueue_dma source(%dma_start3A_433 : memref<50x64xf32, #tpu.memory_space<vmem>>) target(%dma_start3A_426 : memref<50x64xf32, #tpu.memory_space<hbm>>) target_semaphore(%dma_start3A_419 : memref<!tpu.dma_semaphore, #tpu.memory_space<semaphore_mem>>)
      %mul3A_434 = arith.constant 8 : i32
      %mul3A_435 = arith.muli %add3A_157, %mul3A_434 : i32
      %add3A_436 = arith.addi %mul3A_4, %mul3A_435 : i32
      %add3A_437 = arith.constant 7 : i32
      %add3A_438 = arith.addi %add3A_436, %add3A_437 : i32
      %dma_start3A_439 = arith.constant 0 : i32
      %dma_start3A_440 = arith.constant 0 : i32
      %dma_start3A_441 = arith.constant 0 : i32
      %dma_start3A_442 = arith.constant 0 : i32
      %dma_start3A_443 = tpu.memref_slice %arg6[%dma_start3A_439, %dma_start3A_441, %dma_start3A_442] : memref<2x400x64xf32, #tpu.memory_space<vmem>> -> memref<1x400x64xf32, #tpu.memory_space<vmem>>
      %dma_start3A_444 = tpu.memref_squeeze %dma_start3A_443 : memref<1x400x64xf32, #tpu.memory_space<vmem>> -> memref<400x64xf32, #tpu.memory_space<vmem>>
      %dma_start3A_445 = arith.constant 350 : i32
      %dma_start3A_446 = arith.constant 0 : i32
      %dma_start3A_447 = tpu.memref_slice %dma_start3A_444[%dma_start3A_445, %dma_start3A_446] : memref<400x64xf32, #tpu.memory_space<vmem>> -> memref<50x64xf32, #tpu.memory_space<vmem>>
      %dma_start3A_448 = arith.constant 0 : i32
      %dma_start3A_449 = arith.constant 0 : i32
      %dma_start3A_450 = tpu.memref_slice %arg4[%add3A_438, %dma_start3A_448, %dma_start3A_449] : memref<16384x56x128xf32, #tpu.memory_space<hbm>> -> memref<1x56x128xf32, #tpu.memory_space<hbm>>
      %dma_start3A_451 = tpu.memref_squeeze %dma_start3A_450 : memref<1x56x128xf32, #tpu.memory_space<hbm>> -> memref<56x128xf32, #tpu.memory_space<hbm>>
      %dma_start3A_452 = arith.constant 0 : i32
      %dma_start3A_453 = arith.constant 0 : i32
      %dma_start3A_454 = tpu.memref_slice %dma_start3A_451[%dma_start3A_452, %dma_start3A_453] : memref<56x128xf32, #tpu.memory_space<hbm>> -> memref<50x64xf32, #tpu.memory_space<hbm>>
      %dma_start3A_455 = tpu.memref_slice %arg8[%dma_start3A_440] : memref<2x!tpu.dma_semaphore, #tpu.memory_space<semaphore_mem>> -> memref<1x!tpu.dma_semaphore, #tpu.memory_space<semaphore_mem>>
      %dma_start3A_456 = tpu.memref_squeeze %dma_start3A_455 : memref<1x!tpu.dma_semaphore, #tpu.memory_space<semaphore_mem>> -> memref<!tpu.dma_semaphore, #tpu.memory_space<semaphore_mem>>
      %dma_start3A_457 = arith.constant 0 : i32
      %dma_start3A_458 = arith.constant 0 : i32
      %dma_start3A_459 = tpu.memref_slice %arg4[%add3A_438, %dma_start3A_457, %dma_start3A_458] : memref<16384x56x128xf32, #tpu.memory_space<hbm>> -> memref<1x56x128xf32, #tpu.memory_space<hbm>>
      %dma_start3A_460 = tpu.memref_squeeze %dma_start3A_459 : memref<1x56x128xf32, #tpu.memory_space<hbm>> -> memref<56x128xf32, #tpu.memory_space<hbm>>
      %dma_start3A_461 = arith.constant 0 : i32
      %dma_start3A_462 = arith.constant 0 : i32
      %dma_start3A_463 = tpu.memref_slice %dma_start3A_460[%dma_start3A_461, %dma_start3A_462] : memref<56x128xf32, #tpu.memory_space<hbm>> -> memref<50x64xf32, #tpu.memory_space<hbm>>
      %dma_start3A_464 = arith.constant 0 : i32
      %dma_start3A_465 = arith.constant 0 : i32
      %dma_start3A_466 = tpu.memref_slice %arg6[%dma_start3A_439, %dma_start3A_464, %dma_start3A_465] : memref<2x400x64xf32, #tpu.memory_space<vmem>> -> memref<1x400x64xf32, #tpu.memory_space<vmem>>
      %dma_start3A_467 = tpu.memref_squeeze %dma_start3A_466 : memref<1x400x64xf32, #tpu.memory_space<vmem>> -> memref<400x64xf32, #tpu.memory_space<vmem>>
      %dma_start3A_468 = arith.constant 350 : i32
      %dma_start3A_469 = arith.constant 0 : i32
      %dma_start3A_470 = tpu.memref_slice %dma_start3A_467[%dma_start3A_468, %dma_start3A_469] : memref<400x64xf32, #tpu.memory_space<vmem>> -> memref<50x64xf32, #tpu.memory_space<vmem>>
      tpu.enqueue_dma source(%dma_start3A_470 : memref<50x64xf32, #tpu.memory_space<vmem>>) target(%dma_start3A_463 : memref<50x64xf32, #tpu.memory_space<hbm>>) target_semaphore(%dma_start3A_456 : memref<!tpu.dma_semaphore, #tpu.memory_space<semaphore_mem>>)
      %dma_wait3A_471 = arith.constant 0 : i32
      %dma_wait3A_472 = arith.constant 0 : i32
      %dma_wait3A_473 = arith.constant 0 : i32
      %dma_wait3A_474 = arith.constant 0 : i32
      %dma_wait3A_475 = arith.constant 0 : i32
      %dma_wait3A_476 = tpu.memref_slice %arg6[%dma_wait3A_471, %dma_wait3A_474, %dma_wait3A_475] : memref<2x400x64xf32, #tpu.memory_space<vmem>> -> memref<1x400x64xf32, #tpu.memory_space<vmem>>
      %dma_wait3A_477 = tpu.memref_squeeze %dma_wait3A_476 : memref<1x400x64xf32, #tpu.memory_space<vmem>> -> memref<400x64xf32, #tpu.memory_space<vmem>>
      %dma_wait3A_478 = arith.constant 0 : i32
      %dma_wait3A_479 = arith.constant 0 : i32
      %dma_wait3A_480 = tpu.memref_slice %dma_wait3A_477[%dma_wait3A_478, %dma_wait3A_479] : memref<400x64xf32, #tpu.memory_space<vmem>> -> memref<50x64xf32, #tpu.memory_space<vmem>>
      %dma_wait3A_481 = arith.constant 0 : i32
      %dma_wait3A_482 = arith.constant 0 : i32
      %dma_wait3A_483 = tpu.memref_slice %arg4[%dma_wait3A_472, %dma_wait3A_481, %dma_wait3A_482] : memref<16384x56x128xf32, #tpu.memory_space<hbm>> -> memref<1x56x128xf32, #tpu.memory_space<hbm>>
      %dma_wait3A_484 = tpu.memref_squeeze %dma_wait3A_483 : memref<1x56x128xf32, #tpu.memory_space<hbm>> -> memref<56x128xf32, #tpu.memory_space<hbm>>
      %dma_wait3A_485 = arith.constant 0 : i32
      %dma_wait3A_486 = arith.constant 0 : i32
      %dma_wait3A_487 = tpu.memref_slice %dma_wait3A_484[%dma_wait3A_485, %dma_wait3A_486] : memref<56x128xf32, #tpu.memory_space<hbm>> -> memref<50x64xf32, #tpu.memory_space<hbm>>
      %dma_wait3A_488 = tpu.memref_slice %arg8[%dma_wait3A_473] : memref<2x!tpu.dma_semaphore, #tpu.memory_space<semaphore_mem>> -> memref<1x!tpu.dma_semaphore, #tpu.memory_space<semaphore_mem>>
      %dma_wait3A_489 = tpu.memref_squeeze %dma_wait3A_488 : memref<1x!tpu.dma_semaphore, #tpu.memory_space<semaphore_mem>> -> memref<!tpu.dma_semaphore, #tpu.memory_space<semaphore_mem>>
      %dma_wait3A_490 = arith.constant 0 : i32
      %dma_wait3A_491 = arith.constant 0 : i32
      %dma_wait3A_492 = tpu.memref_slice %arg4[%dma_wait3A_472, %dma_wait3A_490, %dma_wait3A_491] : memref<16384x56x128xf32, #tpu.memory_space<hbm>> -> memref<1x56x128xf32, #tpu.memory_space<hbm>>
      %dma_wait3A_493 = tpu.memref_squeeze %dma_wait3A_492 : memref<1x56x128xf32, #tpu.memory_space<hbm>> -> memref<56x128xf32, #tpu.memory_space<hbm>>
      %dma_wait3A_494 = arith.constant 0 : i32
      %dma_wait3A_495 = arith.constant 0 : i32
      %dma_wait3A_496 = tpu.memref_slice %dma_wait3A_493[%dma_wait3A_494, %dma_wait3A_495] : memref<56x128xf32, #tpu.memory_space<hbm>> -> memref<50x64xf32, #tpu.memory_space<hbm>>
      %dma_wait3A_497 = arith.constant 0 : i32
      %dma_wait3A_498 = arith.constant 0 : i32
      %dma_wait3A_499 = tpu.memref_slice %arg6[%dma_wait3A_471, %dma_wait3A_497, %dma_wait3A_498] : memref<2x400x64xf32, #tpu.memory_space<vmem>> -> memref<1x400x64xf32, #tpu.memory_space<vmem>>
      %dma_wait3A_500 = tpu.memref_squeeze %dma_wait3A_499 : memref<1x400x64xf32, #tpu.memory_space<vmem>> -> memref<400x64xf32, #tpu.memory_space<vmem>>
      %dma_wait3A_501 = arith.constant 0 : i32
      %dma_wait3A_502 = arith.constant 0 : i32
      %dma_wait3A_503 = tpu.memref_slice %dma_wait3A_500[%dma_wait3A_501, %dma_wait3A_502] : memref<400x64xf32, #tpu.memory_space<vmem>> -> memref<50x64xf32, #tpu.memory_space<vmem>>
      tpu.wait_dma2 semaphore(%dma_wait3A_489 : memref<!tpu.dma_semaphore, #tpu.memory_space<semaphore_mem>>) src(%dma_wait3A_503 : memref<50x64xf32, #tpu.memory_space<vmem>>) dst(%dma_wait3A_496 : memref<50x64xf32, #tpu.memory_space<hbm>>)
      %dma_wait3A_504 = arith.constant 0 : i32
      %dma_wait3A_505 = arith.constant 0 : i32
      %dma_wait3A_506 = arith.constant 0 : i32
      %dma_wait3A_507 = arith.constant 0 : i32
      %dma_wait3A_508 = arith.constant 0 : i32
      %dma_wait3A_509 = tpu.memref_slice %arg6[%dma_wait3A_504, %dma_wait3A_507, %dma_wait3A_508] : memref<2x400x64xf32, #tpu.memory_space<vmem>> -> memref<1x400x64xf32, #tpu.memory_space<vmem>>
      %dma_wait3A_510 = tpu.memref_squeeze %dma_wait3A_509 : memref<1x400x64xf32, #tpu.memory_space<vmem>> -> memref<400x64xf32, #tpu.memory_space<vmem>>
      %dma_wait3A_511 = arith.constant 0 : i32
      %dma_wait3A_512 = arith.constant 0 : i32
      %dma_wait3A_513 = tpu.memref_slice %dma_wait3A_510[%dma_wait3A_511, %dma_wait3A_512] : memref<400x64xf32, #tpu.memory_space<vmem>> -> memref<50x64xf32, #tpu.memory_space<vmem>>
      %dma_wait3A_514 = arith.constant 0 : i32
      %dma_wait3A_515 = arith.constant 0 : i32
      %dma_wait3A_516 = tpu.memref_slice %arg4[%dma_wait3A_505, %dma_wait3A_514, %dma_wait3A_515] : memref<16384x56x128xf32, #tpu.memory_space<hbm>> -> memref<1x56x128xf32, #tpu.memory_space<hbm>>
      %dma_wait3A_517 = tpu.memref_squeeze %dma_wait3A_516 : memref<1x56x128xf32, #tpu.memory_space<hbm>> -> memref<56x128xf32, #tpu.memory_space<hbm>>
      %dma_wait3A_518 = arith.constant 0 : i32
      %dma_wait3A_519 = arith.constant 0 : i32
      %dma_wait3A_520 = tpu.memref_slice %dma_wait3A_517[%dma_wait3A_518, %dma_wait3A_519] : memref<56x128xf32, #tpu.memory_space<hbm>> -> memref<50x64xf32, #tpu.memory_space<hbm>>
      %dma_wait3A_521 = tpu.memref_slice %arg8[%dma_wait3A_506] : memref<2x!tpu.dma_semaphore, #tpu.memory_space<semaphore_mem>> -> memref<1x!tpu.dma_semaphore, #tpu.memory_space<semaphore_mem>>
      %dma_wait3A_522 = tpu.memref_squeeze %dma_wait3A_521 : memref<1x!tpu.dma_semaphore, #tpu.memory_space<semaphore_mem>> -> memref<!tpu.dma_semaphore, #tpu.memory_space<semaphore_mem>>
      %dma_wait3A_523 = arith.constant 0 : i32
      %dma_wait3A_524 = arith.constant 0 : i32
      %dma_wait3A_525 = tpu.memref_slice %arg4[%dma_wait3A_505, %dma_wait3A_523, %dma_wait3A_524] : memref<16384x56x128xf32, #tpu.memory_space<hbm>> -> memref<1x56x128xf32, #tpu.memory_space<hbm>>
      %dma_wait3A_526 = tpu.memref_squeeze %dma_wait3A_525 : memref<1x56x128xf32, #tpu.memory_space<hbm>> -> memref<56x128xf32, #tpu.memory_space<hbm>>
      %dma_wait3A_527 = arith.constant 0 : i32
      %dma_wait3A_528 = arith.constant 0 : i32
      %dma_wait3A_529 = tpu.memref_slice %dma_wait3A_526[%dma_wait3A_527, %dma_wait3A_528] : memref<56x128xf32, #tpu.memory_space<hbm>> -> memref<50x64xf32, #tpu.memory_space<hbm>>
      %dma_wait3A_530 = arith.constant 0 : i32
      %dma_wait3A_531 = arith.constant 0 : i32
      %dma_wait3A_532 = tpu.memref_slice %arg6[%dma_wait3A_504, %dma_wait3A_530, %dma_wait3A_531] : memref<2x400x64xf32, #tpu.memory_space<vmem>> -> memref<1x400x64xf32, #tpu.memory_space<vmem>>
      %dma_wait3A_533 = tpu.memref_squeeze %dma_wait3A_532 : memref<1x400x64xf32, #tpu.memory_space<vmem>> -> memref<400x64xf32, #tpu.memory_space<vmem>>
      %dma_wait3A_534 = arith.constant 0 : i32
      %dma_wait3A_535 = arith.constant 0 : i32
      %dma_wait3A_536 = tpu.memref_slice %dma_wait3A_533[%dma_wait3A_534, %dma_wait3A_535] : memref<400x64xf32, #tpu.memory_space<vmem>> -> memref<50x64xf32, #tpu.memory_space<vmem>>
      tpu.wait_dma2 semaphore(%dma_wait3A_522 : memref<!tpu.dma_semaphore, #tpu.memory_space<semaphore_mem>>) src(%dma_wait3A_536 : memref<50x64xf32, #tpu.memory_space<vmem>>) dst(%dma_wait3A_529 : memref<50x64xf32, #tpu.memory_space<hbm>>)
      %dma_wait3A_537 = arith.constant 0 : i32
      %dma_wait3A_538 = arith.constant 0 : i32
      %dma_wait3A_539 = arith.constant 0 : i32
      %dma_wait3A_540 = arith.constant 0 : i32
      %dma_wait3A_541 = arith.constant 0 : i32
      %dma_wait3A_542 = tpu.memref_slice %arg6[%dma_wait3A_537, %dma_wait3A_540, %dma_wait3A_541] : memref<2x400x64xf32, #tpu.memory_space<vmem>> -> memref<1x400x64xf32, #tpu.memory_space<vmem>>
      %dma_wait3A_543 = tpu.memref_squeeze %dma_wait3A_542 : memref<1x400x64xf32, #tpu.memory_space<vmem>> -> memref<400x64xf32, #tpu.memory_space<vmem>>
      %dma_wait3A_544 = arith.constant 0 : i32
      %dma_wait3A_545 = arith.constant 0 : i32
      %dma_wait3A_546 = tpu.memref_slice %dma_wait3A_543[%dma_wait3A_544, %dma_wait3A_545] : memref<400x64xf32, #tpu.memory_space<vmem>> -> memref<50x64xf32, #tpu.memory_space<vmem>>
      %dma_wait3A_547 = arith.constant 0 : i32
      %dma_wait3A_548 = arith.constant 0 : i32
      %dma_wait3A_549 = tpu.memref_slice %arg4[%dma_wait3A_538, %dma_wait3A_547, %dma_wait3A_548] : memref<16384x56x128xf32, #tpu.memory_space<hbm>> -> memref<1x56x128xf32, #tpu.memory_space<hbm>>
      %dma_wait3A_550 = tpu.memref_squeeze %dma_wait3A_549 : memref<1x56x128xf32, #tpu.memory_space<hbm>> -> memref<56x128xf32, #tpu.memory_space<hbm>>
      %dma_wait3A_551 = arith.constant 0 : i32
      %dma_wait3A_552 = arith.constant 0 : i32
      %dma_wait3A_553 = tpu.memref_slice %dma_wait3A_550[%dma_wait3A_551, %dma_wait3A_552] : memref<56x128xf32, #tpu.memory_space<hbm>> -> memref<50x64xf32, #tpu.memory_space<hbm>>
      %dma_wait3A_554 = tpu.memref_slice %arg8[%dma_wait3A_539] : memref<2x!tpu.dma_semaphore, #tpu.memory_space<semaphore_mem>> -> memref<1x!tpu.dma_semaphore, #tpu.memory_space<semaphore_mem>>
      %dma_wait3A_555 = tpu.memref_squeeze %dma_wait3A_554 : memref<1x!tpu.dma_semaphore, #tpu.memory_space<semaphore_mem>> -> memref<!tpu.dma_semaphore, #tpu.memory_space<semaphore_mem>>
      %dma_wait3A_556 = arith.constant 0 : i32
      %dma_wait3A_557 = arith.constant 0 : i32
      %dma_wait3A_558 = tpu.memref_slice %arg4[%dma_wait3A_538, %dma_wait3A_556, %dma_wait3A_557] : memref<16384x56x128xf32, #tpu.memory_space<hbm>> -> memref<1x56x128xf32, #tpu.memory_space<hbm>>
      %dma_wait3A_559 = tpu.memref_squeeze %dma_wait3A_558 : memref<1x56x128xf32, #tpu.memory_space<hbm>> -> memref<56x128xf32, #tpu.memory_space<hbm>>
      %dma_wait3A_560 = arith.constant 0 : i32
      %dma_wait3A_561 = arith.constant 0 : i32
      %dma_wait3A_562 = tpu.memref_slice %dma_wait3A_559[%dma_wait3A_560, %dma_wait3A_561] : memref<56x128xf32, #tpu.memory_space<hbm>> -> memref<50x64xf32, #tpu.memory_space<hbm>>
      %dma_wait3A_563 = arith.constant 0 : i32
      %dma_wait3A_564 = arith.constant 0 : i32
      %dma_wait3A_565 = tpu.memref_slice %arg6[%dma_wait3A_537, %dma_wait3A_563, %dma_wait3A_564] : memref<2x400x64xf32, #tpu.memory_space<vmem>> -> memref<1x400x64xf32, #tpu.memory_space<vmem>>
      %dma_wait3A_566 = tpu.memref_squeeze %dma_wait3A_565 : memref<1x400x64xf32, #tpu.memory_space<vmem>> -> memref<400x64xf32, #tpu.memory_space<vmem>>
      %dma_wait3A_567 = arith.constant 0 : i32
      %dma_wait3A_568 = arith.constant 0 : i32
      %dma_wait3A_569 = tpu.memref_slice %dma_wait3A_566[%dma_wait3A_567, %dma_wait3A_568] : memref<400x64xf32, #tpu.memory_space<vmem>> -> memref<50x64xf32, #tpu.memory_space<vmem>>
      tpu.wait_dma2 semaphore(%dma_wait3A_555 : memref<!tpu.dma_semaphore, #tpu.memory_space<semaphore_mem>>) src(%dma_wait3A_569 : memref<50x64xf32, #tpu.memory_space<vmem>>) dst(%dma_wait3A_562 : memref<50x64xf32, #tpu.memory_space<hbm>>)
      %dma_wait3A_570 = arith.constant 0 : i32
      %dma_wait3A_571 = arith.constant 0 : i32
      %dma_wait3A_572 = arith.constant 0 : i32
      %dma_wait3A_573 = arith.constant 0 : i32
      %dma_wait3A_574 = arith.constant 0 : i32
      %dma_wait3A_575 = tpu.memref_slice %arg6[%dma_wait3A_570, %dma_wait3A_573, %dma_wait3A_574] : memref<2x400x64xf32, #tpu.memory_space<vmem>> -> memref<1x400x64xf32, #tpu.memory_space<vmem>>
      %dma_wait3A_576 = tpu.memref_squeeze %dma_wait3A_575 : memref<1x400x64xf32, #tpu.memory_space<vmem>> -> memref<400x64xf32, #tpu.memory_space<vmem>>
      %dma_wait3A_577 = arith.constant 0 : i32
      %dma_wait3A_578 = arith.constant 0 : i32
      %dma_wait3A_579 = tpu.memref_slice %dma_wait3A_576[%dma_wait3A_577, %dma_wait3A_578] : memref<400x64xf32, #tpu.memory_space<vmem>> -> memref<50x64xf32, #tpu.memory_space<vmem>>
      %dma_wait3A_580 = arith.constant 0 : i32
      %dma_wait3A_581 = arith.constant 0 : i32
      %dma_wait3A_582 = tpu.memref_slice %arg4[%dma_wait3A_571, %dma_wait3A_580, %dma_wait3A_581] : memref<16384x56x128xf32, #tpu.memory_space<hbm>> -> memref<1x56x128xf32, #tpu.memory_space<hbm>>
      %dma_wait3A_583 = tpu.memref_squeeze %dma_wait3A_582 : memref<1x56x128xf32, #tpu.memory_space<hbm>> -> memref<56x128xf32, #tpu.memory_space<hbm>>
      %dma_wait3A_584 = arith.constant 0 : i32
      %dma_wait3A_585 = arith.constant 0 : i32
      %dma_wait3A_586 = tpu.memref_slice %dma_wait3A_583[%dma_wait3A_584, %dma_wait3A_585] : memref<56x128xf32, #tpu.memory_space<hbm>> -> memref<50x64xf32, #tpu.memory_space<hbm>>
      %dma_wait3A_587 = tpu.memref_slice %arg8[%dma_wait3A_572] : memref<2x!tpu.dma_semaphore, #tpu.memory_space<semaphore_mem>> -> memref<1x!tpu.dma_semaphore, #tpu.memory_space<semaphore_mem>>
      %dma_wait3A_588 = tpu.memref_squeeze %dma_wait3A_587 : memref<1x!tpu.dma_semaphore, #tpu.memory_space<semaphore_mem>> -> memref<!tpu.dma_semaphore, #tpu.memory_space<semaphore_mem>>
      %dma_wait3A_589 = arith.constant 0 : i32
      %dma_wait3A_590 = arith.constant 0 : i32
      %dma_wait3A_591 = tpu.memref_slice %arg4[%dma_wait3A_571, %dma_wait3A_589, %dma_wait3A_590] : memref<16384x56x128xf32, #tpu.memory_space<hbm>> -> memref<1x56x128xf32, #tpu.memory_space<hbm>>
      %dma_wait3A_592 = tpu.memref_squeeze %dma_wait3A_591 : memref<1x56x128xf32, #tpu.memory_space<hbm>> -> memref<56x128xf32, #tpu.memory_space<hbm>>
      %dma_wait3A_593 = arith.constant 0 : i32
      %dma_wait3A_594 = arith.constant 0 : i32
      %dma_wait3A_595 = tpu.memref_slice %dma_wait3A_592[%dma_wait3A_593, %dma_wait3A_594] : memref<56x128xf32, #tpu.memory_space<hbm>> -> memref<50x64xf32, #tpu.memory_space<hbm>>
      %dma_wait3A_596 = arith.constant 0 : i32
      %dma_wait3A_597 = arith.constant 0 : i32
      %dma_wait3A_598 = tpu.memref_slice %arg6[%dma_wait3A_570, %dma_wait3A_596, %dma_wait3A_597] : memref<2x400x64xf32, #tpu.memory_space<vmem>> -> memref<1x400x64xf32, #tpu.memory_space<vmem>>
      %dma_wait3A_599 = tpu.memref_squeeze %dma_wait3A_598 : memref<1x400x64xf32, #tpu.memory_space<vmem>> -> memref<400x64xf32, #tpu.memory_space<vmem>>
      %dma_wait3A_600 = arith.constant 0 : i32
      %dma_wait3A_601 = arith.constant 0 : i32
      %dma_wait3A_602 = tpu.memref_slice %dma_wait3A_599[%dma_wait3A_600, %dma_wait3A_601] : memref<400x64xf32, #tpu.memory_space<vmem>> -> memref<50x64xf32, #tpu.memory_space<vmem>>
      tpu.wait_dma2 semaphore(%dma_wait3A_588 : memref<!tpu.dma_semaphore, #tpu.memory_space<semaphore_mem>>) src(%dma_wait3A_602 : memref<50x64xf32, #tpu.memory_space<vmem>>) dst(%dma_wait3A_595 : memref<50x64xf32, #tpu.memory_space<hbm>>)
      %dma_wait3A_603 = arith.constant 0 : i32
      %dma_wait3A_604 = arith.constant 0 : i32
      %dma_wait3A_605 = arith.constant 0 : i32
      %dma_wait3A_606 = arith.constant 0 : i32
      %dma_wait3A_607 = arith.constant 0 : i32
      %dma_wait3A_608 = tpu.memref_slice %arg6[%dma_wait3A_603, %dma_wait3A_606, %dma_wait3A_607] : memref<2x400x64xf32, #tpu.memory_space<vmem>> -> memref<1x400x64xf32, #tpu.memory_space<vmem>>
      %dma_wait3A_609 = tpu.memref_squeeze %dma_wait3A_608 : memref<1x400x64xf32, #tpu.memory_space<vmem>> -> memref<400x64xf32, #tpu.memory_space<vmem>>
      %dma_wait3A_610 = arith.constant 0 : i32
      %dma_wait3A_611 = arith.constant 0 : i32
      %dma_wait3A_612 = tpu.memref_slice %dma_wait3A_609[%dma_wait3A_610, %dma_wait3A_611] : memref<400x64xf32, #tpu.memory_space<vmem>> -> memref<50x64xf32, #tpu.memory_space<vmem>>
      %dma_wait3A_613 = arith.constant 0 : i32
      %dma_wait3A_614 = arith.constant 0 : i32
      %dma_wait3A_615 = tpu.memref_slice %arg4[%dma_wait3A_604, %dma_wait3A_613, %dma_wait3A_614] : memref<16384x56x128xf32, #tpu.memory_space<hbm>> -> memref<1x56x128xf32, #tpu.memory_space<hbm>>
      %dma_wait3A_616 = tpu.memref_squeeze %dma_wait3A_615 : memref<1x56x128xf32, #tpu.memory_space<hbm>> -> memref<56x128xf32, #tpu.memory_space<hbm>>
      %dma_wait3A_617 = arith.constant 0 : i32
      %dma_wait3A_618 = arith.constant 0 : i32
      %dma_wait3A_619 = tpu.memref_slice %dma_wait3A_616[%dma_wait3A_617, %dma_wait3A_618] : memref<56x128xf32, #tpu.memory_space<hbm>> -> memref<50x64xf32, #tpu.memory_space<hbm>>
      %dma_wait3A_620 = tpu.memref_slice %arg8[%dma_wait3A_605] : memref<2x!tpu.dma_semaphore, #tpu.memory_space<semaphore_mem>> -> memref<1x!tpu.dma_semaphore, #tpu.memory_space<semaphore_mem>>
      %dma_wait3A_621 = tpu.memref_squeeze %dma_wait3A_620 : memref<1x!tpu.dma_semaphore, #tpu.memory_space<semaphore_mem>> -> memref<!tpu.dma_semaphore, #tpu.memory_space<semaphore_mem>>
      %dma_wait3A_622 = arith.constant 0 : i32
      %dma_wait3A_623 = arith.constant 0 : i32
      %dma_wait3A_624 = tpu.memref_slice %arg4[%dma_wait3A_604, %dma_wait3A_622, %dma_wait3A_623] : memref<16384x56x128xf32, #tpu.memory_space<hbm>> -> memref<1x56x128xf32, #tpu.memory_space<hbm>>
      %dma_wait3A_625 = tpu.memref_squeeze %dma_wait3A_624 : memref<1x56x128xf32, #tpu.memory_space<hbm>> -> memref<56x128xf32, #tpu.memory_space<hbm>>
      %dma_wait3A_626 = arith.constant 0 : i32
      %dma_wait3A_627 = arith.constant 0 : i32
      %dma_wait3A_628 = tpu.memref_slice %dma_wait3A_625[%dma_wait3A_626, %dma_wait3A_627] : memref<56x128xf32, #tpu.memory_space<hbm>> -> memref<50x64xf32, #tpu.memory_space<hbm>>
      %dma_wait3A_629 = arith.constant 0 : i32
      %dma_wait3A_630 = arith.constant 0 : i32
      %dma_wait3A_631 = tpu.memref_slice %arg6[%dma_wait3A_603, %dma_wait3A_629, %dma_wait3A_630] : memref<2x400x64xf32, #tpu.memory_space<vmem>> -> memref<1x400x64xf32, #tpu.memory_space<vmem>>
      %dma_wait3A_632 = tpu.memref_squeeze %dma_wait3A_631 : memref<1x400x64xf32, #tpu.memory_space<vmem>> -> memref<400x64xf32, #tpu.memory_space<vmem>>
      %dma_wait3A_633 = arith.constant 0 : i32
      %dma_wait3A_634 = arith.constant 0 : i32
      %dma_wait3A_635 = tpu.memref_slice %dma_wait3A_632[%dma_wait3A_633, %dma_wait3A_634] : memref<400x64xf32, #tpu.memory_space<vmem>> -> memref<50x64xf32, #tpu.memory_space<vmem>>
      tpu.wait_dma2 semaphore(%dma_wait3A_621 : memref<!tpu.dma_semaphore, #tpu.memory_space<semaphore_mem>>) src(%dma_wait3A_635 : memref<50x64xf32, #tpu.memory_space<vmem>>) dst(%dma_wait3A_628 : memref<50x64xf32, #tpu.memory_space<hbm>>)
      %dma_wait3A_636 = arith.constant 0 : i32
      %dma_wait3A_637 = arith.constant 0 : i32
      %dma_wait3A_638 = arith.constant 0 : i32
      %dma_wait3A_639 = arith.constant 0 : i32
      %dma_wait3A_640 = arith.constant 0 : i32
      %dma_wait3A_641 = tpu.memref_slice %arg6[%dma_wait3A_636, %dma_wait3A_639, %dma_wait3A_640] : memref<2x400x64xf32, #tpu.memory_space<vmem>> -> memref<1x400x64xf32, #tpu.memory_space<vmem>>
      %dma_wait3A_642 = tpu.memref_squeeze %dma_wait3A_641 : memref<1x400x64xf32, #tpu.memory_space<vmem>> -> memref<400x64xf32, #tpu.memory_space<vmem>>
      %dma_wait3A_643 = arith.constant 0 : i32
      %dma_wait3A_644 = arith.constant 0 : i32
      %dma_wait3A_645 = tpu.memref_slice %dma_wait3A_642[%dma_wait3A_643, %dma_wait3A_644] : memref<400x64xf32, #tpu.memory_space<vmem>> -> memref<50x64xf32, #tpu.memory_space<vmem>>
      %dma_wait3A_646 = arith.constant 0 : i32
      %dma_wait3A_647 = arith.constant 0 : i32
      %dma_wait3A_648 = tpu.memref_slice %arg4[%dma_wait3A_637, %dma_wait3A_646, %dma_wait3A_647] : memref<16384x56x128xf32, #tpu.memory_space<hbm>> -> memref<1x56x128xf32, #tpu.memory_space<hbm>>
      %dma_wait3A_649 = tpu.memref_squeeze %dma_wait3A_648 : memref<1x56x128xf32, #tpu.memory_space<hbm>> -> memref<56x128xf32, #tpu.memory_space<hbm>>
      %dma_wait3A_650 = arith.constant 0 : i32
      %dma_wait3A_651 = arith.constant 0 : i32
      %dma_wait3A_652 = tpu.memref_slice %dma_wait3A_649[%dma_wait3A_650, %dma_wait3A_651] : memref<56x128xf32, #tpu.memory_space<hbm>> -> memref<50x64xf32, #tpu.memory_space<hbm>>
      %dma_wait3A_653 = tpu.memref_slice %arg8[%dma_wait3A_638] : memref<2x!tpu.dma_semaphore, #tpu.memory_space<semaphore_mem>> -> memref<1x!tpu.dma_semaphore, #tpu.memory_space<semaphore_mem>>
      %dma_wait3A_654 = tpu.memref_squeeze %dma_wait3A_653 : memref<1x!tpu.dma_semaphore, #tpu.memory_space<semaphore_mem>> -> memref<!tpu.dma_semaphore, #tpu.memory_space<semaphore_mem>>
      %dma_wait3A_655 = arith.constant 0 : i32
      %dma_wait3A_656 = arith.constant 0 : i32
      %dma_wait3A_657 = tpu.memref_slice %arg4[%dma_wait3A_637, %dma_wait3A_655, %dma_wait3A_656] : memref<16384x56x128xf32, #tpu.memory_space<hbm>> -> memref<1x56x128xf32, #tpu.memory_space<hbm>>
      %dma_wait3A_658 = tpu.memref_squeeze %dma_wait3A_657 : memref<1x56x128xf32, #tpu.memory_space<hbm>> -> memref<56x128xf32, #tpu.memory_space<hbm>>
      %dma_wait3A_659 = arith.constant 0 : i32
      %dma_wait3A_660 = arith.constant 0 : i32
      %dma_wait3A_661 = tpu.memref_slice %dma_wait3A_658[%dma_wait3A_659, %dma_wait3A_660] : memref<56x128xf32, #tpu.memory_space<hbm>> -> memref<50x64xf32, #tpu.memory_space<hbm>>
      %dma_wait3A_662 = arith.constant 0 : i32
      %dma_wait3A_663 = arith.constant 0 : i32
      %dma_wait3A_664 = tpu.memref_slice %arg6[%dma_wait3A_636, %dma_wait3A_662, %dma_wait3A_663] : memref<2x400x64xf32, #tpu.memory_space<vmem>> -> memref<1x400x64xf32, #tpu.memory_space<vmem>>
      %dma_wait3A_665 = tpu.memref_squeeze %dma_wait3A_664 : memref<1x400x64xf32, #tpu.memory_space<vmem>> -> memref<400x64xf32, #tpu.memory_space<vmem>>
      %dma_wait3A_666 = arith.constant 0 : i32
      %dma_wait3A_667 = arith.constant 0 : i32
      %dma_wait3A_668 = tpu.memref_slice %dma_wait3A_665[%dma_wait3A_666, %dma_wait3A_667] : memref<400x64xf32, #tpu.memory_space<vmem>> -> memref<50x64xf32, #tpu.memory_space<vmem>>
      tpu.wait_dma2 semaphore(%dma_wait3A_654 : memref<!tpu.dma_semaphore, #tpu.memory_space<semaphore_mem>>) src(%dma_wait3A_668 : memref<50x64xf32, #tpu.memory_space<vmem>>) dst(%dma_wait3A_661 : memref<50x64xf32, #tpu.memory_space<hbm>>)
      %dma_wait3A_669 = arith.constant 0 : i32
      %dma_wait3A_670 = arith.constant 0 : i32
      %dma_wait3A_671 = arith.constant 0 : i32
      %dma_wait3A_672 = arith.constant 0 : i32
      %dma_wait3A_673 = arith.constant 0 : i32
      %dma_wait3A_674 = tpu.memref_slice %arg6[%dma_wait3A_669, %dma_wait3A_672, %dma_wait3A_673] : memref<2x400x64xf32, #tpu.memory_space<vmem>> -> memref<1x400x64xf32, #tpu.memory_space<vmem>>
      %dma_wait3A_675 = tpu.memref_squeeze %dma_wait3A_674 : memref<1x400x64xf32, #tpu.memory_space<vmem>> -> memref<400x64xf32, #tpu.memory_space<vmem>>
      %dma_wait3A_676 = arith.constant 0 : i32
      %dma_wait3A_677 = arith.constant 0 : i32
      %dma_wait3A_678 = tpu.memref_slice %dma_wait3A_675[%dma_wait3A_676, %dma_wait3A_677] : memref<400x64xf32, #tpu.memory_space<vmem>> -> memref<50x64xf32, #tpu.memory_space<vmem>>
      %dma_wait3A_679 = arith.constant 0 : i32
      %dma_wait3A_680 = arith.constant 0 : i32
      %dma_wait3A_681 = tpu.memref_slice %arg4[%dma_wait3A_670, %dma_wait3A_679, %dma_wait3A_680] : memref<16384x56x128xf32, #tpu.memory_space<hbm>> -> memref<1x56x128xf32, #tpu.memory_space<hbm>>
      %dma_wait3A_682 = tpu.memref_squeeze %dma_wait3A_681 : memref<1x56x128xf32, #tpu.memory_space<hbm>> -> memref<56x128xf32, #tpu.memory_space<hbm>>
      %dma_wait3A_683 = arith.constant 0 : i32
      %dma_wait3A_684 = arith.constant 0 : i32
      %dma_wait3A_685 = tpu.memref_slice %dma_wait3A_682[%dma_wait3A_683, %dma_wait3A_684] : memref<56x128xf32, #tpu.memory_space<hbm>> -> memref<50x64xf32, #tpu.memory_space<hbm>>
      %dma_wait3A_686 = tpu.memref_slice %arg8[%dma_wait3A_671] : memref<2x!tpu.dma_semaphore, #tpu.memory_space<semaphore_mem>> -> memref<1x!tpu.dma_semaphore, #tpu.memory_space<semaphore_mem>>
      %dma_wait3A_687 = tpu.memref_squeeze %dma_wait3A_686 : memref<1x!tpu.dma_semaphore, #tpu.memory_space<semaphore_mem>> -> memref<!tpu.dma_semaphore, #tpu.memory_space<semaphore_mem>>
      %dma_wait3A_688 = arith.constant 0 : i32
      %dma_wait3A_689 = arith.constant 0 : i32
      %dma_wait3A_690 = tpu.memref_slice %arg4[%dma_wait3A_670, %dma_wait3A_688, %dma_wait3A_689] : memref<16384x56x128xf32, #tpu.memory_space<hbm>> -> memref<1x56x128xf32, #tpu.memory_space<hbm>>
      %dma_wait3A_691 = tpu.memref_squeeze %dma_wait3A_690 : memref<1x56x128xf32, #tpu.memory_space<hbm>> -> memref<56x128xf32, #tpu.memory_space<hbm>>
      %dma_wait3A_692 = arith.constant 0 : i32
      %dma_wait3A_693 = arith.constant 0 : i32
      %dma_wait3A_694 = tpu.memref_slice %dma_wait3A_691[%dma_wait3A_692, %dma_wait3A_693] : memref<56x128xf32, #tpu.memory_space<hbm>> -> memref<50x64xf32, #tpu.memory_space<hbm>>
      %dma_wait3A_695 = arith.constant 0 : i32
      %dma_wait3A_696 = arith.constant 0 : i32
      %dma_wait3A_697 = tpu.memref_slice %arg6[%dma_wait3A_669, %dma_wait3A_695, %dma_wait3A_696] : memref<2x400x64xf32, #tpu.memory_space<vmem>> -> memref<1x400x64xf32, #tpu.memory_space<vmem>>
      %dma_wait3A_698 = tpu.memref_squeeze %dma_wait3A_697 : memref<1x400x64xf32, #tpu.memory_space<vmem>> -> memref<400x64xf32, #tpu.memory_space<vmem>>
      %dma_wait3A_699 = arith.constant 0 : i32
      %dma_wait3A_700 = arith.constant 0 : i32
      %dma_wait3A_701 = tpu.memref_slice %dma_wait3A_698[%dma_wait3A_699, %dma_wait3A_700] : memref<400x64xf32, #tpu.memory_space<vmem>> -> memref<50x64xf32, #tpu.memory_space<vmem>>
      tpu.wait_dma2 semaphore(%dma_wait3A_687 : memref<!tpu.dma_semaphore, #tpu.memory_space<semaphore_mem>>) src(%dma_wait3A_701 : memref<50x64xf32, #tpu.memory_space<vmem>>) dst(%dma_wait3A_694 : memref<50x64xf32, #tpu.memory_space<hbm>>)
      %dma_wait3A_702 = arith.constant 0 : i32
      %dma_wait3A_703 = arith.constant 0 : i32
      %dma_wait3A_704 = arith.constant 0 : i32
      %dma_wait3A_705 = arith.constant 0 : i32
      %dma_wait3A_706 = arith.constant 0 : i32
      %dma_wait3A_707 = tpu.memref_slice %arg6[%dma_wait3A_702, %dma_wait3A_705, %dma_wait3A_706] : memref<2x400x64xf32, #tpu.memory_space<vmem>> -> memref<1x400x64xf32, #tpu.memory_space<vmem>>
      %dma_wait3A_708 = tpu.memref_squeeze %dma_wait3A_707 : memref<1x400x64xf32, #tpu.memory_space<vmem>> -> memref<400x64xf32, #tpu.memory_space<vmem>>
      %dma_wait3A_709 = arith.constant 0 : i32
      %dma_wait3A_710 = arith.constant 0 : i32
      %dma_wait3A_711 = tpu.memref_slice %dma_wait3A_708[%dma_wait3A_709, %dma_wait3A_710] : memref<400x64xf32, #tpu.memory_space<vmem>> -> memref<50x64xf32, #tpu.memory_space<vmem>>
      %dma_wait3A_712 = arith.constant 0 : i32
      %dma_wait3A_713 = arith.constant 0 : i32
      %dma_wait3A_714 = tpu.memref_slice %arg4[%dma_wait3A_703, %dma_wait3A_712, %dma_wait3A_713] : memref<16384x56x128xf32, #tpu.memory_space<hbm>> -> memref<1x56x128xf32, #tpu.memory_space<hbm>>
      %dma_wait3A_715 = tpu.memref_squeeze %dma_wait3A_714 : memref<1x56x128xf32, #tpu.memory_space<hbm>> -> memref<56x128xf32, #tpu.memory_space<hbm>>
      %dma_wait3A_716 = arith.constant 0 : i32
      %dma_wait3A_717 = arith.constant 0 : i32
      %dma_wait3A_718 = tpu.memref_slice %dma_wait3A_715[%dma_wait3A_716, %dma_wait3A_717] : memref<56x128xf32, #tpu.memory_space<hbm>> -> memref<50x64xf32, #tpu.memory_space<hbm>>
      %dma_wait3A_719 = tpu.memref_slice %arg8[%dma_wait3A_704] : memref<2x!tpu.dma_semaphore, #tpu.memory_space<semaphore_mem>> -> memref<1x!tpu.dma_semaphore, #tpu.memory_space<semaphore_mem>>
      %dma_wait3A_720 = tpu.memref_squeeze %dma_wait3A_719 : memref<1x!tpu.dma_semaphore, #tpu.memory_space<semaphore_mem>> -> memref<!tpu.dma_semaphore, #tpu.memory_space<semaphore_mem>>
      %dma_wait3A_721 = arith.constant 0 : i32
      %dma_wait3A_722 = arith.constant 0 : i32
      %dma_wait3A_723 = tpu.memref_slice %arg4[%dma_wait3A_703, %dma_wait3A_721, %dma_wait3A_722] : memref<16384x56x128xf32, #tpu.memory_space<hbm>> -> memref<1x56x128xf32, #tpu.memory_space<hbm>>
      %dma_wait3A_724 = tpu.memref_squeeze %dma_wait3A_723 : memref<1x56x128xf32, #tpu.memory_space<hbm>> -> memref<56x128xf32, #tpu.memory_space<hbm>>
      %dma_wait3A_725 = arith.constant 0 : i32
      %dma_wait3A_726 = arith.constant 0 : i32
      %dma_wait3A_727 = tpu.memref_slice %dma_wait3A_724[%dma_wait3A_725, %dma_wait3A_726] : memref<56x128xf32, #tpu.memory_space<hbm>> -> memref<50x64xf32, #tpu.memory_space<hbm>>
      %dma_wait3A_728 = arith.constant 0 : i32
      %dma_wait3A_729 = arith.constant 0 : i32
      %dma_wait3A_730 = tpu.memref_slice %arg6[%dma_wait3A_702, %dma_wait3A_728, %dma_wait3A_729] : memref<2x400x64xf32, #tpu.memory_space<vmem>> -> memref<1x400x64xf32, #tpu.memory_space<vmem>>
      %dma_wait3A_731 = tpu.memref_squeeze %dma_wait3A_730 : memref<1x400x64xf32, #tpu.memory_space<vmem>> -> memref<400x64xf32, #tpu.memory_space<vmem>>
      %dma_wait3A_732 = arith.constant 0 : i32
      %dma_wait3A_733 = arith.constant 0 : i32
      %dma_wait3A_734 = tpu.memref_slice %dma_wait3A_731[%dma_wait3A_732, %dma_wait3A_733] : memref<400x64xf32, #tpu.memory_space<vmem>> -> memref<50x64xf32, #tpu.memory_space<vmem>>
      tpu.wait_dma2 semaphore(%dma_wait3A_720 : memref<!tpu.dma_semaphore, #tpu.memory_space<semaphore_mem>>) src(%dma_wait3A_734 : memref<50x64xf32, #tpu.memory_space<vmem>>) dst(%dma_wait3A_727 : memref<50x64xf32, #tpu.memory_space<hbm>>)
      %lt3A = arith.constant 31 : i32
      %lt3A_735 = arith.cmpi slt, %scan3A_153, %lt3A : i32
      %convert_element_type3A = arith.extui %lt3A_735 : i1 to i32
      %cond3A = arith.constant 0 : i32
      %cond3A_736 = arith.cmpi ne, %convert_element_type3A, %cond3A : i32
      scf.if %cond3A_736 {
        %add3A_1324 = arith.constant 2 : i32
        %add3A_1325 = arith.addi %add3A_157, %add3A_1324 : i32
        %mul3A_1326 = arith.constant 4 : i32
        %mul3A_1327 = arith.muli %add3A_1325, %mul3A_1326 : i32
        %add3A_1328 = arith.constant 0 : i32
        %add3A_1329 = arith.addi %mul3A_1327, %add3A_1328 : i32
        %dma_start3A_1330 = arith.constant 0 : i32
        %dma_start3A_1331 = arith.constant 0 : i32
        %dma_start3A_1332 = arith.constant 0 : i32
        %dma_start3A_1333 = arith.constant 0 : i32
        %dma_start3A_1334 = tpu.memref_slice %arg6[%dma_start3A_1330, %dma_start3A_1332, %dma_start3A_1333] : memref<2x400x64xf32, #tpu.memory_space<vmem>> -> memref<1x400x64xf32, #tpu.memory_space<vmem>>
        %dma_start3A_1335 = tpu.memref_squeeze %dma_start3A_1334 : memref<1x400x64xf32, #tpu.memory_space<vmem>> -> memref<400x64xf32, #tpu.memory_space<vmem>>
        %dma_start3A_1336 = arith.constant 0 : i32
        %dma_start3A_1337 = arith.constant 0 : i32
        %dma_start3A_1338 = tpu.memref_slice %dma_start3A_1335[%dma_start3A_1336, %dma_start3A_1337] : memref<400x64xf32, #tpu.memory_space<vmem>> -> memref<100x64xf32, #tpu.memory_space<vmem>>
        %dma_start3A_1339 = arith.constant 0 : i32
        %dma_start3A_1340 = tpu.memref_slice %arg5[%add3A_1329, %dma_start3A_1339] : memref<256x100xi32, #tpu.memory_space<vmem>> -> memref<1x100xi32, #tpu.memory_space<vmem>>
        %dma_start3A_1341 = tpu.memref_squeeze %dma_start3A_1340 : memref<1x100xi32, #tpu.memory_space<vmem>> -> memref<100xi32, #tpu.memory_space<vmem>>
        %dma_start3A_1342 = arith.constant 0 : i32
        %dma_start3A_1343 = arith.constant 0 : i32
        %dma_start3A_1344 = tpu.memref_slice %arg2[%dma_start3A_1342, %dma_start3A_1343] : memref<1000000x64xf32, #tpu.memory_space<hbm>> -> memref<1000000x64xf32, #tpu.memory_space<hbm>>
        %dma_start3A_1345 = tpu.memref_slice %arg7[%dma_start3A_1331] : memref<2x!tpu.dma_semaphore, #tpu.memory_space<semaphore_mem>> -> memref<1x!tpu.dma_semaphore, #tpu.memory_space<semaphore_mem>>
        %dma_start3A_1346 = tpu.memref_squeeze %dma_start3A_1345 : memref<1x!tpu.dma_semaphore, #tpu.memory_space<semaphore_mem>> -> memref<!tpu.dma_semaphore, #tpu.memory_space<semaphore_mem>>
        tpu.enqueue_indirect_dma source(%dma_start3A_1344 : memref<1000000x64xf32, #tpu.memory_space<hbm>>) target(%dma_start3A_1338 : memref<100x64xf32, #tpu.memory_space<vmem>>) offsets(%dma_start3A_1341 : memref<100xi32, #tpu.memory_space<vmem>>) semaphore(%dma_start3A_1346 : memref<!tpu.dma_semaphore, #tpu.memory_space<semaphore_mem>>)
        %mul3A_1347 = arith.constant 4 : i32
        %mul3A_1348 = arith.muli %add3A_1325, %mul3A_1347 : i32
        %add3A_1349 = arith.constant 1 : i32
        %add3A_1350 = arith.addi %mul3A_1348, %add3A_1349 : i32
        %dma_start3A_1351 = arith.constant 0 : i32
        %dma_start3A_1352 = arith.constant 0 : i32
        %dma_start3A_1353 = arith.constant 0 : i32
        %dma_start3A_1354 = arith.constant 0 : i32
        %dma_start3A_1355 = tpu.memref_slice %arg6[%dma_start3A_1351, %dma_start3A_1353, %dma_start3A_1354] : memref<2x400x64xf32, #tpu.memory_space<vmem>> -> memref<1x400x64xf32, #tpu.memory_space<vmem>>
        %dma_start3A_1356 = tpu.memref_squeeze %dma_start3A_1355 : memref<1x400x64xf32, #tpu.memory_space<vmem>> -> memref<400x64xf32, #tpu.memory_space<vmem>>
        %dma_start3A_1357 = arith.constant 100 : i32
        %dma_start3A_1358 = arith.constant 0 : i32
        %dma_start3A_1359 = tpu.memref_slice %dma_start3A_1356[%dma_start3A_1357, %dma_start3A_1358] : memref<400x64xf32, #tpu.memory_space<vmem>> -> memref<100x64xf32, #tpu.memory_space<vmem>>
        %dma_start3A_1360 = arith.constant 0 : i32
        %dma_start3A_1361 = tpu.memref_slice %arg5[%add3A_1350, %dma_start3A_1360] : memref<256x100xi32, #tpu.memory_space<vmem>> -> memref<1x100xi32, #tpu.memory_space<vmem>>
        %dma_start3A_1362 = tpu.memref_squeeze %dma_start3A_1361 : memref<1x100xi32, #tpu.memory_space<vmem>> -> memref<100xi32, #tpu.memory_space<vmem>>
        %dma_start3A_1363 = arith.constant 0 : i32
        %dma_start3A_1364 = arith.constant 0 : i32
        %dma_start3A_1365 = tpu.memref_slice %arg2[%dma_start3A_1363, %dma_start3A_1364] : memref<1000000x64xf32, #tpu.memory_space<hbm>> -> memref<1000000x64xf32, #tpu.memory_space<hbm>>
        %dma_start3A_1366 = tpu.memref_slice %arg7[%dma_start3A_1352] : memref<2x!tpu.dma_semaphore, #tpu.memory_space<semaphore_mem>> -> memref<1x!tpu.dma_semaphore, #tpu.memory_space<semaphore_mem>>
        %dma_start3A_1367 = tpu.memref_squeeze %dma_start3A_1366 : memref<1x!tpu.dma_semaphore, #tpu.memory_space<semaphore_mem>> -> memref<!tpu.dma_semaphore, #tpu.memory_space<semaphore_mem>>
        tpu.enqueue_indirect_dma source(%dma_start3A_1365 : memref<1000000x64xf32, #tpu.memory_space<hbm>>) target(%dma_start3A_1359 : memref<100x64xf32, #tpu.memory_space<vmem>>) offsets(%dma_start3A_1362 : memref<100xi32, #tpu.memory_space<vmem>>) semaphore(%dma_start3A_1367 : memref<!tpu.dma_semaphore, #tpu.memory_space<semaphore_mem>>)
        %mul3A_1368 = arith.constant 4 : i32
        %mul3A_1369 = arith.muli %add3A_1325, %mul3A_1368 : i32
        %add3A_1370 = arith.constant 2 : i32
        %add3A_1371 = arith.addi %mul3A_1369, %add3A_1370 : i32
        %dma_start3A_1372 = arith.constant 0 : i32
        %dma_start3A_1373 = arith.constant 0 : i32
        %dma_start3A_1374 = arith.constant 0 : i32
        %dma_start3A_1375 = arith.constant 0 : i32
        %dma_start3A_1376 = tpu.memref_slice %arg6[%dma_start3A_1372, %dma_start3A_1374, %dma_start3A_1375] : memref<2x400x64xf32, #tpu.memory_space<vmem>> -> memref<1x400x64xf32, #tpu.memory_space<vmem>>
        %dma_start3A_1377 = tpu.memref_squeeze %dma_start3A_1376 : memref<1x400x64xf32, #tpu.memory_space<vmem>> -> memref<400x64xf32, #tpu.memory_space<vmem>>
        %dma_start3A_1378 = arith.constant 200 : i32
        %dma_start3A_1379 = arith.constant 0 : i32
        %dma_start3A_1380 = tpu.memref_slice %dma_start3A_1377[%dma_start3A_1378, %dma_start3A_1379] : memref<400x64xf32, #tpu.memory_space<vmem>> -> memref<100x64xf32, #tpu.memory_space<vmem>>
        %dma_start3A_1381 = arith.constant 0 : i32
        %dma_start3A_1382 = tpu.memref_slice %arg5[%add3A_1371, %dma_start3A_1381] : memref<256x100xi32, #tpu.memory_space<vmem>> -> memref<1x100xi32, #tpu.memory_space<vmem>>
        %dma_start3A_1383 = tpu.memref_squeeze %dma_start3A_1382 : memref<1x100xi32, #tpu.memory_space<vmem>> -> memref<100xi32, #tpu.memory_space<vmem>>
        %dma_start3A_1384 = arith.constant 0 : i32
        %dma_start3A_1385 = arith.constant 0 : i32
        %dma_start3A_1386 = tpu.memref_slice %arg2[%dma_start3A_1384, %dma_start3A_1385] : memref<1000000x64xf32, #tpu.memory_space<hbm>> -> memref<1000000x64xf32, #tpu.memory_space<hbm>>
        %dma_start3A_1387 = tpu.memref_slice %arg7[%dma_start3A_1373] : memref<2x!tpu.dma_semaphore, #tpu.memory_space<semaphore_mem>> -> memref<1x!tpu.dma_semaphore, #tpu.memory_space<semaphore_mem>>
        %dma_start3A_1388 = tpu.memref_squeeze %dma_start3A_1387 : memref<1x!tpu.dma_semaphore, #tpu.memory_space<semaphore_mem>> -> memref<!tpu.dma_semaphore, #tpu.memory_space<semaphore_mem>>
        tpu.enqueue_indirect_dma source(%dma_start3A_1386 : memref<1000000x64xf32, #tpu.memory_space<hbm>>) target(%dma_start3A_1380 : memref<100x64xf32, #tpu.memory_space<vmem>>) offsets(%dma_start3A_1383 : memref<100xi32, #tpu.memory_space<vmem>>) semaphore(%dma_start3A_1388 : memref<!tpu.dma_semaphore, #tpu.memory_space<semaphore_mem>>)
        %mul3A_1389 = arith.constant 4 : i32
        %mul3A_1390 = arith.muli %add3A_1325, %mul3A_1389 : i32
        %add3A_1391 = arith.constant 3 : i32
        %add3A_1392 = arith.addi %mul3A_1390, %add3A_1391 : i32
        %dma_start3A_1393 = arith.constant 0 : i32
        %dma_start3A_1394 = arith.constant 0 : i32
        %dma_start3A_1395 = arith.constant 0 : i32
        %dma_start3A_1396 = arith.constant 0 : i32
        %dma_start3A_1397 = tpu.memref_slice %arg6[%dma_start3A_1393, %dma_start3A_1395, %dma_start3A_1396] : memref<2x400x64xf32, #tpu.memory_space<vmem>> -> memref<1x400x64xf32, #tpu.memory_space<vmem>>
        %dma_start3A_1398 = tpu.memref_squeeze %dma_start3A_1397 : memref<1x400x64xf32, #tpu.memory_space<vmem>> -> memref<400x64xf32, #tpu.memory_space<vmem>>
        %dma_start3A_1399 = arith.constant 300 : i32
        %dma_start3A_1400 = arith.constant 0 : i32
        %dma_start3A_1401 = tpu.memref_slice %dma_start3A_1398[%dma_start3A_1399, %dma_start3A_1400] : memref<400x64xf32, #tpu.memory_space<vmem>> -> memref<100x64xf32, #tpu.memory_space<vmem>>
        %dma_start3A_1402 = arith.constant 0 : i32
        %dma_start3A_1403 = tpu.memref_slice %arg5[%add3A_1392, %dma_start3A_1402] : memref<256x100xi32, #tpu.memory_space<vmem>> -> memref<1x100xi32, #tpu.memory_space<vmem>>
        %dma_start3A_1404 = tpu.memref_squeeze %dma_start3A_1403 : memref<1x100xi32, #tpu.memory_space<vmem>> -> memref<100xi32, #tpu.memory_space<vmem>>
        %dma_start3A_1405 = arith.constant 0 : i32
        %dma_start3A_1406 = arith.constant 0 : i32
        %dma_start3A_1407 = tpu.memref_slice %arg2[%dma_start3A_1405, %dma_start3A_1406] : memref<1000000x64xf32, #tpu.memory_space<hbm>> -> memref<1000000x64xf32, #tpu.memory_space<hbm>>
        %dma_start3A_1408 = tpu.memref_slice %arg7[%dma_start3A_1394] : memref<2x!tpu.dma_semaphore, #tpu.memory_space<semaphore_mem>> -> memref<1x!tpu.dma_semaphore, #tpu.memory_space<semaphore_mem>>
        %dma_start3A_1409 = tpu.memref_squeeze %dma_start3A_1408 : memref<1x!tpu.dma_semaphore, #tpu.memory_space<semaphore_mem>> -> memref<!tpu.dma_semaphore, #tpu.memory_space<semaphore_mem>>
        tpu.enqueue_indirect_dma source(%dma_start3A_1407 : memref<1000000x64xf32, #tpu.memory_space<hbm>>) target(%dma_start3A_1401 : memref<100x64xf32, #tpu.memory_space<vmem>>) offsets(%dma_start3A_1404 : memref<100xi32, #tpu.memory_space<vmem>>) semaphore(%dma_start3A_1409 : memref<!tpu.dma_semaphore, #tpu.memory_space<semaphore_mem>>)
      } else {
      }
      %mul3A_737 = arith.constant 2 : i32
      %mul3A_738 = arith.muli %scan3A_153, %mul3A_737 : i32
      %add3A_739 = arith.constant 1 : i32
      %add3A_740 = arith.addi %mul3A_738, %add3A_739 : i32
      %dma_wait3A_741 = arith.constant 1 : i32
      %dma_wait3A_742 = arith.constant 1 : i32
      %dma_wait3A_743 = arith.constant 0 : i32
      %dma_wait3A_744 = arith.constant 0 : i32
      %dma_wait3A_745 = tpu.memref_slice %arg6[%dma_wait3A_741, %dma_wait3A_743, %dma_wait3A_744] : memref<2x400x64xf32, #tpu.memory_space<vmem>> -> memref<1x400x64xf32, #tpu.memory_space<vmem>>
      %dma_wait3A_746 = tpu.memref_squeeze %dma_wait3A_745 : memref<1x400x64xf32, #tpu.memory_space<vmem>> -> memref<400x64xf32, #tpu.memory_space<vmem>>
      %dma_wait3A_747 = arith.constant 0 : i32
      %dma_wait3A_748 = arith.constant 0 : i32
      %dma_wait3A_749 = tpu.memref_slice %arg2[%dma_wait3A_747, %dma_wait3A_748] : memref<1000000x64xf32, #tpu.memory_space<hbm>> -> memref<400x64xf32, #tpu.memory_space<hbm>>
      %dma_wait3A_750 = tpu.memref_slice %arg7[%dma_wait3A_742] : memref<2x!tpu.dma_semaphore, #tpu.memory_space<semaphore_mem>> -> memref<1x!tpu.dma_semaphore, #tpu.memory_space<semaphore_mem>>
      %dma_wait3A_751 = tpu.memref_squeeze %dma_wait3A_750 : memref<1x!tpu.dma_semaphore, #tpu.memory_space<semaphore_mem>> -> memref<!tpu.dma_semaphore, #tpu.memory_space<semaphore_mem>>
      %dma_wait3A_752 = arith.constant 0 : i32
      %dma_wait3A_753 = arith.constant 0 : i32
      %dma_wait3A_754 = tpu.memref_slice %arg6[%dma_wait3A_741, %dma_wait3A_752, %dma_wait3A_753] : memref<2x400x64xf32, #tpu.memory_space<vmem>> -> memref<1x400x64xf32, #tpu.memory_space<vmem>>
      %dma_wait3A_755 = tpu.memref_squeeze %dma_wait3A_754 : memref<1x400x64xf32, #tpu.memory_space<vmem>> -> memref<400x64xf32, #tpu.memory_space<vmem>>
      %dma_wait3A_756 = arith.constant 0 : i32
      %dma_wait3A_757 = arith.constant 0 : i32
      %dma_wait3A_758 = tpu.memref_slice %arg2[%dma_wait3A_756, %dma_wait3A_757] : memref<1000000x64xf32, #tpu.memory_space<hbm>> -> memref<400x64xf32, #tpu.memory_space<hbm>>
      tpu.wait_dma2 semaphore(%dma_wait3A_751 : memref<!tpu.dma_semaphore, #tpu.memory_space<semaphore_mem>>) src(%dma_wait3A_758 : memref<400x64xf32, #tpu.memory_space<hbm>>) dst(%dma_wait3A_755 : memref<400x64xf32, #tpu.memory_space<vmem>>)
      %mul3A_759 = arith.constant 8 : i32
      %mul3A_760 = arith.muli %add3A_740, %mul3A_759 : i32
      %add3A_761 = arith.addi %mul3A_4, %mul3A_760 : i32
      %add3A_762 = arith.constant 0 : i32
      %add3A_763 = arith.addi %add3A_761, %add3A_762 : i32
      %dma_start3A_764 = arith.constant 1 : i32
      %dma_start3A_765 = arith.constant 1 : i32
      %dma_start3A_766 = arith.constant 0 : i32
      %dma_start3A_767 = arith.constant 0 : i32
      %dma_start3A_768 = tpu.memref_slice %arg6[%dma_start3A_764, %dma_start3A_766, %dma_start3A_767] : memref<2x400x64xf32, #tpu.memory_space<vmem>> -> memref<1x400x64xf32, #tpu.memory_space<vmem>>
      %dma_start3A_769 = tpu.memref_squeeze %dma_start3A_768 : memref<1x400x64xf32, #tpu.memory_space<vmem>> -> memref<400x64xf32, #tpu.memory_space<vmem>>
      %dma_start3A_770 = arith.constant 0 : i32
      %dma_start3A_771 = arith.constant 0 : i32
      %dma_start3A_772 = tpu.memref_slice %dma_start3A_769[%dma_start3A_770, %dma_start3A_771] : memref<400x64xf32, #tpu.memory_space<vmem>> -> memref<50x64xf32, #tpu.memory_space<vmem>>
      %dma_start3A_773 = arith.constant 0 : i32
      %dma_start3A_774 = arith.constant 0 : i32
      %dma_start3A_775 = tpu.memref_slice %arg4[%add3A_763, %dma_start3A_773, %dma_start3A_774] : memref<16384x56x128xf32, #tpu.memory_space<hbm>> -> memref<1x56x128xf32, #tpu.memory_space<hbm>>
      %dma_start3A_776 = tpu.memref_squeeze %dma_start3A_775 : memref<1x56x128xf32, #tpu.memory_space<hbm>> -> memref<56x128xf32, #tpu.memory_space<hbm>>
      %dma_start3A_777 = arith.constant 0 : i32
      %dma_start3A_778 = arith.constant 0 : i32
      %dma_start3A_779 = tpu.memref_slice %dma_start3A_776[%dma_start3A_777, %dma_start3A_778] : memref<56x128xf32, #tpu.memory_space<hbm>> -> memref<50x64xf32, #tpu.memory_space<hbm>>
      %dma_start3A_780 = tpu.memref_slice %arg8[%dma_start3A_765] : memref<2x!tpu.dma_semaphore, #tpu.memory_space<semaphore_mem>> -> memref<1x!tpu.dma_semaphore, #tpu.memory_space<semaphore_mem>>
      %dma_start3A_781 = tpu.memref_squeeze %dma_start3A_780 : memref<1x!tpu.dma_semaphore, #tpu.memory_space<semaphore_mem>> -> memref<!tpu.dma_semaphore, #tpu.memory_space<semaphore_mem>>
      %dma_start3A_782 = arith.constant 0 : i32
      %dma_start3A_783 = arith.constant 0 : i32
      %dma_start3A_784 = tpu.memref_slice %arg4[%add3A_763, %dma_start3A_782, %dma_start3A_783] : memref<16384x56x128xf32, #tpu.memory_space<hbm>> -> memref<1x56x128xf32, #tpu.memory_space<hbm>>
      %dma_start3A_785 = tpu.memref_squeeze %dma_start3A_784 : memref<1x56x128xf32, #tpu.memory_space<hbm>> -> memref<56x128xf32, #tpu.memory_space<hbm>>
      %dma_start3A_786 = arith.constant 0 : i32
      %dma_start3A_787 = arith.constant 0 : i32
      %dma_start3A_788 = tpu.memref_slice %dma_start3A_785[%dma_start3A_786, %dma_start3A_787] : memref<56x128xf32, #tpu.memory_space<hbm>> -> memref<50x64xf32, #tpu.memory_space<hbm>>
      %dma_start3A_789 = arith.constant 0 : i32
      %dma_start3A_790 = arith.constant 0 : i32
      %dma_start3A_791 = tpu.memref_slice %arg6[%dma_start3A_764, %dma_start3A_789, %dma_start3A_790] : memref<2x400x64xf32, #tpu.memory_space<vmem>> -> memref<1x400x64xf32, #tpu.memory_space<vmem>>
      %dma_start3A_792 = tpu.memref_squeeze %dma_start3A_791 : memref<1x400x64xf32, #tpu.memory_space<vmem>> -> memref<400x64xf32, #tpu.memory_space<vmem>>
      %dma_start3A_793 = arith.constant 0 : i32
      %dma_start3A_794 = arith.constant 0 : i32
      %dma_start3A_795 = tpu.memref_slice %dma_start3A_792[%dma_start3A_793, %dma_start3A_794] : memref<400x64xf32, #tpu.memory_space<vmem>> -> memref<50x64xf32, #tpu.memory_space<vmem>>
      tpu.enqueue_dma source(%dma_start3A_795 : memref<50x64xf32, #tpu.memory_space<vmem>>) target(%dma_start3A_788 : memref<50x64xf32, #tpu.memory_space<hbm>>) target_semaphore(%dma_start3A_781 : memref<!tpu.dma_semaphore, #tpu.memory_space<semaphore_mem>>)
      %mul3A_796 = arith.constant 8 : i32
      %mul3A_797 = arith.muli %add3A_740, %mul3A_796 : i32
      %add3A_798 = arith.addi %mul3A_4, %mul3A_797 : i32
      %add3A_799 = arith.constant 1 : i32
      %add3A_800 = arith.addi %add3A_798, %add3A_799 : i32
      %dma_start3A_801 = arith.constant 1 : i32
      %dma_start3A_802 = arith.constant 1 : i32
      %dma_start3A_803 = arith.constant 0 : i32
      %dma_start3A_804 = arith.constant 0 : i32
      %dma_start3A_805 = tpu.memref_slice %arg6[%dma_start3A_801, %dma_start3A_803, %dma_start3A_804] : memref<2x400x64xf32, #tpu.memory_space<vmem>> -> memref<1x400x64xf32, #tpu.memory_space<vmem>>
      %dma_start3A_806 = tpu.memref_squeeze %dma_start3A_805 : memref<1x400x64xf32, #tpu.memory_space<vmem>> -> memref<400x64xf32, #tpu.memory_space<vmem>>
      %dma_start3A_807 = arith.constant 50 : i32
      %dma_start3A_808 = arith.constant 0 : i32
      %dma_start3A_809 = tpu.memref_slice %dma_start3A_806[%dma_start3A_807, %dma_start3A_808] : memref<400x64xf32, #tpu.memory_space<vmem>> -> memref<50x64xf32, #tpu.memory_space<vmem>>
      %dma_start3A_810 = arith.constant 0 : i32
      %dma_start3A_811 = arith.constant 0 : i32
      %dma_start3A_812 = tpu.memref_slice %arg4[%add3A_800, %dma_start3A_810, %dma_start3A_811] : memref<16384x56x128xf32, #tpu.memory_space<hbm>> -> memref<1x56x128xf32, #tpu.memory_space<hbm>>
      %dma_start3A_813 = tpu.memref_squeeze %dma_start3A_812 : memref<1x56x128xf32, #tpu.memory_space<hbm>> -> memref<56x128xf32, #tpu.memory_space<hbm>>
      %dma_start3A_814 = arith.constant 0 : i32
      %dma_start3A_815 = arith.constant 0 : i32
      %dma_start3A_816 = tpu.memref_slice %dma_start3A_813[%dma_start3A_814, %dma_start3A_815] : memref<56x128xf32, #tpu.memory_space<hbm>> -> memref<50x64xf32, #tpu.memory_space<hbm>>
      %dma_start3A_817 = tpu.memref_slice %arg8[%dma_start3A_802] : memref<2x!tpu.dma_semaphore, #tpu.memory_space<semaphore_mem>> -> memref<1x!tpu.dma_semaphore, #tpu.memory_space<semaphore_mem>>
      %dma_start3A_818 = tpu.memref_squeeze %dma_start3A_817 : memref<1x!tpu.dma_semaphore, #tpu.memory_space<semaphore_mem>> -> memref<!tpu.dma_semaphore, #tpu.memory_space<semaphore_mem>>
      %dma_start3A_819 = arith.constant 0 : i32
      %dma_start3A_820 = arith.constant 0 : i32
      %dma_start3A_821 = tpu.memref_slice %arg4[%add3A_800, %dma_start3A_819, %dma_start3A_820] : memref<16384x56x128xf32, #tpu.memory_space<hbm>> -> memref<1x56x128xf32, #tpu.memory_space<hbm>>
      %dma_start3A_822 = tpu.memref_squeeze %dma_start3A_821 : memref<1x56x128xf32, #tpu.memory_space<hbm>> -> memref<56x128xf32, #tpu.memory_space<hbm>>
      %dma_start3A_823 = arith.constant 0 : i32
      %dma_start3A_824 = arith.constant 0 : i32
      %dma_start3A_825 = tpu.memref_slice %dma_start3A_822[%dma_start3A_823, %dma_start3A_824] : memref<56x128xf32, #tpu.memory_space<hbm>> -> memref<50x64xf32, #tpu.memory_space<hbm>>
      %dma_start3A_826 = arith.constant 0 : i32
      %dma_start3A_827 = arith.constant 0 : i32
      %dma_start3A_828 = tpu.memref_slice %arg6[%dma_start3A_801, %dma_start3A_826, %dma_start3A_827] : memref<2x400x64xf32, #tpu.memory_space<vmem>> -> memref<1x400x64xf32, #tpu.memory_space<vmem>>
      %dma_start3A_829 = tpu.memref_squeeze %dma_start3A_828 : memref<1x400x64xf32, #tpu.memory_space<vmem>> -> memref<400x64xf32, #tpu.memory_space<vmem>>
      %dma_start3A_830 = arith.constant 50 : i32
      %dma_start3A_831 = arith.constant 0 : i32
      %dma_start3A_832 = tpu.memref_slice %dma_start3A_829[%dma_start3A_830, %dma_start3A_831] : memref<400x64xf32, #tpu.memory_space<vmem>> -> memref<50x64xf32, #tpu.memory_space<vmem>>
      tpu.enqueue_dma source(%dma_start3A_832 : memref<50x64xf32, #tpu.memory_space<vmem>>) target(%dma_start3A_825 : memref<50x64xf32, #tpu.memory_space<hbm>>) target_semaphore(%dma_start3A_818 : memref<!tpu.dma_semaphore, #tpu.memory_space<semaphore_mem>>)
      %mul3A_833 = arith.constant 8 : i32
      %mul3A_834 = arith.muli %add3A_740, %mul3A_833 : i32
      %add3A_835 = arith.addi %mul3A_4, %mul3A_834 : i32
      %add3A_836 = arith.constant 2 : i32
      %add3A_837 = arith.addi %add3A_835, %add3A_836 : i32
      %dma_start3A_838 = arith.constant 1 : i32
      %dma_start3A_839 = arith.constant 1 : i32
      %dma_start3A_840 = arith.constant 0 : i32
      %dma_start3A_841 = arith.constant 0 : i32
      %dma_start3A_842 = tpu.memref_slice %arg6[%dma_start3A_838, %dma_start3A_840, %dma_start3A_841] : memref<2x400x64xf32, #tpu.memory_space<vmem>> -> memref<1x400x64xf32, #tpu.memory_space<vmem>>
      %dma_start3A_843 = tpu.memref_squeeze %dma_start3A_842 : memref<1x400x64xf32, #tpu.memory_space<vmem>> -> memref<400x64xf32, #tpu.memory_space<vmem>>
      %dma_start3A_844 = arith.constant 100 : i32
      %dma_start3A_845 = arith.constant 0 : i32
      %dma_start3A_846 = tpu.memref_slice %dma_start3A_843[%dma_start3A_844, %dma_start3A_845] : memref<400x64xf32, #tpu.memory_space<vmem>> -> memref<50x64xf32, #tpu.memory_space<vmem>>
      %dma_start3A_847 = arith.constant 0 : i32
      %dma_start3A_848 = arith.constant 0 : i32
      %dma_start3A_849 = tpu.memref_slice %arg4[%add3A_837, %dma_start3A_847, %dma_start3A_848] : memref<16384x56x128xf32, #tpu.memory_space<hbm>> -> memref<1x56x128xf32, #tpu.memory_space<hbm>>
      %dma_start3A_850 = tpu.memref_squeeze %dma_start3A_849 : memref<1x56x128xf32, #tpu.memory_space<hbm>> -> memref<56x128xf32, #tpu.memory_space<hbm>>
      %dma_start3A_851 = arith.constant 0 : i32
      %dma_start3A_852 = arith.constant 0 : i32
      %dma_start3A_853 = tpu.memref_slice %dma_start3A_850[%dma_start3A_851, %dma_start3A_852] : memref<56x128xf32, #tpu.memory_space<hbm>> -> memref<50x64xf32, #tpu.memory_space<hbm>>
      %dma_start3A_854 = tpu.memref_slice %arg8[%dma_start3A_839] : memref<2x!tpu.dma_semaphore, #tpu.memory_space<semaphore_mem>> -> memref<1x!tpu.dma_semaphore, #tpu.memory_space<semaphore_mem>>
      %dma_start3A_855 = tpu.memref_squeeze %dma_start3A_854 : memref<1x!tpu.dma_semaphore, #tpu.memory_space<semaphore_mem>> -> memref<!tpu.dma_semaphore, #tpu.memory_space<semaphore_mem>>
      %dma_start3A_856 = arith.constant 0 : i32
      %dma_start3A_857 = arith.constant 0 : i32
      %dma_start3A_858 = tpu.memref_slice %arg4[%add3A_837, %dma_start3A_856, %dma_start3A_857] : memref<16384x56x128xf32, #tpu.memory_space<hbm>> -> memref<1x56x128xf32, #tpu.memory_space<hbm>>
      %dma_start3A_859 = tpu.memref_squeeze %dma_start3A_858 : memref<1x56x128xf32, #tpu.memory_space<hbm>> -> memref<56x128xf32, #tpu.memory_space<hbm>>
      %dma_start3A_860 = arith.constant 0 : i32
      %dma_start3A_861 = arith.constant 0 : i32
      %dma_start3A_862 = tpu.memref_slice %dma_start3A_859[%dma_start3A_860, %dma_start3A_861] : memref<56x128xf32, #tpu.memory_space<hbm>> -> memref<50x64xf32, #tpu.memory_space<hbm>>
      %dma_start3A_863 = arith.constant 0 : i32
      %dma_start3A_864 = arith.constant 0 : i32
      %dma_start3A_865 = tpu.memref_slice %arg6[%dma_start3A_838, %dma_start3A_863, %dma_start3A_864] : memref<2x400x64xf32, #tpu.memory_space<vmem>> -> memref<1x400x64xf32, #tpu.memory_space<vmem>>
      %dma_start3A_866 = tpu.memref_squeeze %dma_start3A_865 : memref<1x400x64xf32, #tpu.memory_space<vmem>> -> memref<400x64xf32, #tpu.memory_space<vmem>>
      %dma_start3A_867 = arith.constant 100 : i32
      %dma_start3A_868 = arith.constant 0 : i32
      %dma_start3A_869 = tpu.memref_slice %dma_start3A_866[%dma_start3A_867, %dma_start3A_868] : memref<400x64xf32, #tpu.memory_space<vmem>> -> memref<50x64xf32, #tpu.memory_space<vmem>>
      tpu.enqueue_dma source(%dma_start3A_869 : memref<50x64xf32, #tpu.memory_space<vmem>>) target(%dma_start3A_862 : memref<50x64xf32, #tpu.memory_space<hbm>>) target_semaphore(%dma_start3A_855 : memref<!tpu.dma_semaphore, #tpu.memory_space<semaphore_mem>>)
      %mul3A_870 = arith.constant 8 : i32
      %mul3A_871 = arith.muli %add3A_740, %mul3A_870 : i32
      %add3A_872 = arith.addi %mul3A_4, %mul3A_871 : i32
      %add3A_873 = arith.constant 3 : i32
      %add3A_874 = arith.addi %add3A_872, %add3A_873 : i32
      %dma_start3A_875 = arith.constant 1 : i32
      %dma_start3A_876 = arith.constant 1 : i32
      %dma_start3A_877 = arith.constant 0 : i32
      %dma_start3A_878 = arith.constant 0 : i32
      %dma_start3A_879 = tpu.memref_slice %arg6[%dma_start3A_875, %dma_start3A_877, %dma_start3A_878] : memref<2x400x64xf32, #tpu.memory_space<vmem>> -> memref<1x400x64xf32, #tpu.memory_space<vmem>>
      %dma_start3A_880 = tpu.memref_squeeze %dma_start3A_879 : memref<1x400x64xf32, #tpu.memory_space<vmem>> -> memref<400x64xf32, #tpu.memory_space<vmem>>
      %dma_start3A_881 = arith.constant 150 : i32
      %dma_start3A_882 = arith.constant 0 : i32
      %dma_start3A_883 = tpu.memref_slice %dma_start3A_880[%dma_start3A_881, %dma_start3A_882] : memref<400x64xf32, #tpu.memory_space<vmem>> -> memref<50x64xf32, #tpu.memory_space<vmem>>
      %dma_start3A_884 = arith.constant 0 : i32
      %dma_start3A_885 = arith.constant 0 : i32
      %dma_start3A_886 = tpu.memref_slice %arg4[%add3A_874, %dma_start3A_884, %dma_start3A_885] : memref<16384x56x128xf32, #tpu.memory_space<hbm>> -> memref<1x56x128xf32, #tpu.memory_space<hbm>>
      %dma_start3A_887 = tpu.memref_squeeze %dma_start3A_886 : memref<1x56x128xf32, #tpu.memory_space<hbm>> -> memref<56x128xf32, #tpu.memory_space<hbm>>
      %dma_start3A_888 = arith.constant 0 : i32
      %dma_start3A_889 = arith.constant 0 : i32
      %dma_start3A_890 = tpu.memref_slice %dma_start3A_887[%dma_start3A_888, %dma_start3A_889] : memref<56x128xf32, #tpu.memory_space<hbm>> -> memref<50x64xf32, #tpu.memory_space<hbm>>
      %dma_start3A_891 = tpu.memref_slice %arg8[%dma_start3A_876] : memref<2x!tpu.dma_semaphore, #tpu.memory_space<semaphore_mem>> -> memref<1x!tpu.dma_semaphore, #tpu.memory_space<semaphore_mem>>
      %dma_start3A_892 = tpu.memref_squeeze %dma_start3A_891 : memref<1x!tpu.dma_semaphore, #tpu.memory_space<semaphore_mem>> -> memref<!tpu.dma_semaphore, #tpu.memory_space<semaphore_mem>>
      %dma_start3A_893 = arith.constant 0 : i32
      %dma_start3A_894 = arith.constant 0 : i32
      %dma_start3A_895 = tpu.memref_slice %arg4[%add3A_874, %dma_start3A_893, %dma_start3A_894] : memref<16384x56x128xf32, #tpu.memory_space<hbm>> -> memref<1x56x128xf32, #tpu.memory_space<hbm>>
      %dma_start3A_896 = tpu.memref_squeeze %dma_start3A_895 : memref<1x56x128xf32, #tpu.memory_space<hbm>> -> memref<56x128xf32, #tpu.memory_space<hbm>>
      %dma_start3A_897 = arith.constant 0 : i32
      %dma_start3A_898 = arith.constant 0 : i32
      %dma_start3A_899 = tpu.memref_slice %dma_start3A_896[%dma_start3A_897, %dma_start3A_898] : memref<56x128xf32, #tpu.memory_space<hbm>> -> memref<50x64xf32, #tpu.memory_space<hbm>>
      %dma_start3A_900 = arith.constant 0 : i32
      %dma_start3A_901 = arith.constant 0 : i32
      %dma_start3A_902 = tpu.memref_slice %arg6[%dma_start3A_875, %dma_start3A_900, %dma_start3A_901] : memref<2x400x64xf32, #tpu.memory_space<vmem>> -> memref<1x400x64xf32, #tpu.memory_space<vmem>>
      %dma_start3A_903 = tpu.memref_squeeze %dma_start3A_902 : memref<1x400x64xf32, #tpu.memory_space<vmem>> -> memref<400x64xf32, #tpu.memory_space<vmem>>
      %dma_start3A_904 = arith.constant 150 : i32
      %dma_start3A_905 = arith.constant 0 : i32
      %dma_start3A_906 = tpu.memref_slice %dma_start3A_903[%dma_start3A_904, %dma_start3A_905] : memref<400x64xf32, #tpu.memory_space<vmem>> -> memref<50x64xf32, #tpu.memory_space<vmem>>
      tpu.enqueue_dma source(%dma_start3A_906 : memref<50x64xf32, #tpu.memory_space<vmem>>) target(%dma_start3A_899 : memref<50x64xf32, #tpu.memory_space<hbm>>) target_semaphore(%dma_start3A_892 : memref<!tpu.dma_semaphore, #tpu.memory_space<semaphore_mem>>)
      %mul3A_907 = arith.constant 8 : i32
      %mul3A_908 = arith.muli %add3A_740, %mul3A_907 : i32
      %add3A_909 = arith.addi %mul3A_4, %mul3A_908 : i32
      %add3A_910 = arith.constant 4 : i32
      %add3A_911 = arith.addi %add3A_909, %add3A_910 : i32
      %dma_start3A_912 = arith.constant 1 : i32
      %dma_start3A_913 = arith.constant 1 : i32
      %dma_start3A_914 = arith.constant 0 : i32
      %dma_start3A_915 = arith.constant 0 : i32
      %dma_start3A_916 = tpu.memref_slice %arg6[%dma_start3A_912, %dma_start3A_914, %dma_start3A_915] : memref<2x400x64xf32, #tpu.memory_space<vmem>> -> memref<1x400x64xf32, #tpu.memory_space<vmem>>
      %dma_start3A_917 = tpu.memref_squeeze %dma_start3A_916 : memref<1x400x64xf32, #tpu.memory_space<vmem>> -> memref<400x64xf32, #tpu.memory_space<vmem>>
      %dma_start3A_918 = arith.constant 200 : i32
      %dma_start3A_919 = arith.constant 0 : i32
      %dma_start3A_920 = tpu.memref_slice %dma_start3A_917[%dma_start3A_918, %dma_start3A_919] : memref<400x64xf32, #tpu.memory_space<vmem>> -> memref<50x64xf32, #tpu.memory_space<vmem>>
      %dma_start3A_921 = arith.constant 0 : i32
      %dma_start3A_922 = arith.constant 0 : i32
      %dma_start3A_923 = tpu.memref_slice %arg4[%add3A_911, %dma_start3A_921, %dma_start3A_922] : memref<16384x56x128xf32, #tpu.memory_space<hbm>> -> memref<1x56x128xf32, #tpu.memory_space<hbm>>
      %dma_start3A_924 = tpu.memref_squeeze %dma_start3A_923 : memref<1x56x128xf32, #tpu.memory_space<hbm>> -> memref<56x128xf32, #tpu.memory_space<hbm>>
      %dma_start3A_925 = arith.constant 0 : i32
      %dma_start3A_926 = arith.constant 0 : i32
      %dma_start3A_927 = tpu.memref_slice %dma_start3A_924[%dma_start3A_925, %dma_start3A_926] : memref<56x128xf32, #tpu.memory_space<hbm>> -> memref<50x64xf32, #tpu.memory_space<hbm>>
      %dma_start3A_928 = tpu.memref_slice %arg8[%dma_start3A_913] : memref<2x!tpu.dma_semaphore, #tpu.memory_space<semaphore_mem>> -> memref<1x!tpu.dma_semaphore, #tpu.memory_space<semaphore_mem>>
      %dma_start3A_929 = tpu.memref_squeeze %dma_start3A_928 : memref<1x!tpu.dma_semaphore, #tpu.memory_space<semaphore_mem>> -> memref<!tpu.dma_semaphore, #tpu.memory_space<semaphore_mem>>
      %dma_start3A_930 = arith.constant 0 : i32
      %dma_start3A_931 = arith.constant 0 : i32
      %dma_start3A_932 = tpu.memref_slice %arg4[%add3A_911, %dma_start3A_930, %dma_start3A_931] : memref<16384x56x128xf32, #tpu.memory_space<hbm>> -> memref<1x56x128xf32, #tpu.memory_space<hbm>>
      %dma_start3A_933 = tpu.memref_squeeze %dma_start3A_932 : memref<1x56x128xf32, #tpu.memory_space<hbm>> -> memref<56x128xf32, #tpu.memory_space<hbm>>
      %dma_start3A_934 = arith.constant 0 : i32
      %dma_start3A_935 = arith.constant 0 : i32
      %dma_start3A_936 = tpu.memref_slice %dma_start3A_933[%dma_start3A_934, %dma_start3A_935] : memref<56x128xf32, #tpu.memory_space<hbm>> -> memref<50x64xf32, #tpu.memory_space<hbm>>
      %dma_start3A_937 = arith.constant 0 : i32
      %dma_start3A_938 = arith.constant 0 : i32
      %dma_start3A_939 = tpu.memref_slice %arg6[%dma_start3A_912, %dma_start3A_937, %dma_start3A_938] : memref<2x400x64xf32, #tpu.memory_space<vmem>> -> memref<1x400x64xf32, #tpu.memory_space<vmem>>
      %dma_start3A_940 = tpu.memref_squeeze %dma_start3A_939 : memref<1x400x64xf32, #tpu.memory_space<vmem>> -> memref<400x64xf32, #tpu.memory_space<vmem>>
      %dma_start3A_941 = arith.constant 200 : i32
      %dma_start3A_942 = arith.constant 0 : i32
      %dma_start3A_943 = tpu.memref_slice %dma_start3A_940[%dma_start3A_941, %dma_start3A_942] : memref<400x64xf32, #tpu.memory_space<vmem>> -> memref<50x64xf32, #tpu.memory_space<vmem>>
      tpu.enqueue_dma source(%dma_start3A_943 : memref<50x64xf32, #tpu.memory_space<vmem>>) target(%dma_start3A_936 : memref<50x64xf32, #tpu.memory_space<hbm>>) target_semaphore(%dma_start3A_929 : memref<!tpu.dma_semaphore, #tpu.memory_space<semaphore_mem>>)
      %mul3A_944 = arith.constant 8 : i32
      %mul3A_945 = arith.muli %add3A_740, %mul3A_944 : i32
      %add3A_946 = arith.addi %mul3A_4, %mul3A_945 : i32
      %add3A_947 = arith.constant 5 : i32
      %add3A_948 = arith.addi %add3A_946, %add3A_947 : i32
      %dma_start3A_949 = arith.constant 1 : i32
      %dma_start3A_950 = arith.constant 1 : i32
      %dma_start3A_951 = arith.constant 0 : i32
      %dma_start3A_952 = arith.constant 0 : i32
      %dma_start3A_953 = tpu.memref_slice %arg6[%dma_start3A_949, %dma_start3A_951, %dma_start3A_952] : memref<2x400x64xf32, #tpu.memory_space<vmem>> -> memref<1x400x64xf32, #tpu.memory_space<vmem>>
      %dma_start3A_954 = tpu.memref_squeeze %dma_start3A_953 : memref<1x400x64xf32, #tpu.memory_space<vmem>> -> memref<400x64xf32, #tpu.memory_space<vmem>>
      %dma_start3A_955 = arith.constant 250 : i32
      %dma_start3A_956 = arith.constant 0 : i32
      %dma_start3A_957 = tpu.memref_slice %dma_start3A_954[%dma_start3A_955, %dma_start3A_956] : memref<400x64xf32, #tpu.memory_space<vmem>> -> memref<50x64xf32, #tpu.memory_space<vmem>>
      %dma_start3A_958 = arith.constant 0 : i32
      %dma_start3A_959 = arith.constant 0 : i32
      %dma_start3A_960 = tpu.memref_slice %arg4[%add3A_948, %dma_start3A_958, %dma_start3A_959] : memref<16384x56x128xf32, #tpu.memory_space<hbm>> -> memref<1x56x128xf32, #tpu.memory_space<hbm>>
      %dma_start3A_961 = tpu.memref_squeeze %dma_start3A_960 : memref<1x56x128xf32, #tpu.memory_space<hbm>> -> memref<56x128xf32, #tpu.memory_space<hbm>>
      %dma_start3A_962 = arith.constant 0 : i32
      %dma_start3A_963 = arith.constant 0 : i32
      %dma_start3A_964 = tpu.memref_slice %dma_start3A_961[%dma_start3A_962, %dma_start3A_963] : memref<56x128xf32, #tpu.memory_space<hbm>> -> memref<50x64xf32, #tpu.memory_space<hbm>>
      %dma_start3A_965 = tpu.memref_slice %arg8[%dma_start3A_950] : memref<2x!tpu.dma_semaphore, #tpu.memory_space<semaphore_mem>> -> memref<1x!tpu.dma_semaphore, #tpu.memory_space<semaphore_mem>>
      %dma_start3A_966 = tpu.memref_squeeze %dma_start3A_965 : memref<1x!tpu.dma_semaphore, #tpu.memory_space<semaphore_mem>> -> memref<!tpu.dma_semaphore, #tpu.memory_space<semaphore_mem>>
      %dma_start3A_967 = arith.constant 0 : i32
      %dma_start3A_968 = arith.constant 0 : i32
      %dma_start3A_969 = tpu.memref_slice %arg4[%add3A_948, %dma_start3A_967, %dma_start3A_968] : memref<16384x56x128xf32, #tpu.memory_space<hbm>> -> memref<1x56x128xf32, #tpu.memory_space<hbm>>
      %dma_start3A_970 = tpu.memref_squeeze %dma_start3A_969 : memref<1x56x128xf32, #tpu.memory_space<hbm>> -> memref<56x128xf32, #tpu.memory_space<hbm>>
      %dma_start3A_971 = arith.constant 0 : i32
      %dma_start3A_972 = arith.constant 0 : i32
      %dma_start3A_973 = tpu.memref_slice %dma_start3A_970[%dma_start3A_971, %dma_start3A_972] : memref<56x128xf32, #tpu.memory_space<hbm>> -> memref<50x64xf32, #tpu.memory_space<hbm>>
      %dma_start3A_974 = arith.constant 0 : i32
      %dma_start3A_975 = arith.constant 0 : i32
      %dma_start3A_976 = tpu.memref_slice %arg6[%dma_start3A_949, %dma_start3A_974, %dma_start3A_975] : memref<2x400x64xf32, #tpu.memory_space<vmem>> -> memref<1x400x64xf32, #tpu.memory_space<vmem>>
      %dma_start3A_977 = tpu.memref_squeeze %dma_start3A_976 : memref<1x400x64xf32, #tpu.memory_space<vmem>> -> memref<400x64xf32, #tpu.memory_space<vmem>>
      %dma_start3A_978 = arith.constant 250 : i32
      %dma_start3A_979 = arith.constant 0 : i32
      %dma_start3A_980 = tpu.memref_slice %dma_start3A_977[%dma_start3A_978, %dma_start3A_979] : memref<400x64xf32, #tpu.memory_space<vmem>> -> memref<50x64xf32, #tpu.memory_space<vmem>>
      tpu.enqueue_dma source(%dma_start3A_980 : memref<50x64xf32, #tpu.memory_space<vmem>>) target(%dma_start3A_973 : memref<50x64xf32, #tpu.memory_space<hbm>>) target_semaphore(%dma_start3A_966 : memref<!tpu.dma_semaphore, #tpu.memory_space<semaphore_mem>>)
      %mul3A_981 = arith.constant 8 : i32
      %mul3A_982 = arith.muli %add3A_740, %mul3A_981 : i32
      %add3A_983 = arith.addi %mul3A_4, %mul3A_982 : i32
      %add3A_984 = arith.constant 6 : i32
      %add3A_985 = arith.addi %add3A_983, %add3A_984 : i32
      %dma_start3A_986 = arith.constant 1 : i32
      %dma_start3A_987 = arith.constant 1 : i32
      %dma_start3A_988 = arith.constant 0 : i32
      %dma_start3A_989 = arith.constant 0 : i32
      %dma_start3A_990 = tpu.memref_slice %arg6[%dma_start3A_986, %dma_start3A_988, %dma_start3A_989] : memref<2x400x64xf32, #tpu.memory_space<vmem>> -> memref<1x400x64xf32, #tpu.memory_space<vmem>>
      %dma_start3A_991 = tpu.memref_squeeze %dma_start3A_990 : memref<1x400x64xf32, #tpu.memory_space<vmem>> -> memref<400x64xf32, #tpu.memory_space<vmem>>
      %dma_start3A_992 = arith.constant 300 : i32
      %dma_start3A_993 = arith.constant 0 : i32
      %dma_start3A_994 = tpu.memref_slice %dma_start3A_991[%dma_start3A_992, %dma_start3A_993] : memref<400x64xf32, #tpu.memory_space<vmem>> -> memref<50x64xf32, #tpu.memory_space<vmem>>
      %dma_start3A_995 = arith.constant 0 : i32
      %dma_start3A_996 = arith.constant 0 : i32
      %dma_start3A_997 = tpu.memref_slice %arg4[%add3A_985, %dma_start3A_995, %dma_start3A_996] : memref<16384x56x128xf32, #tpu.memory_space<hbm>> -> memref<1x56x128xf32, #tpu.memory_space<hbm>>
      %dma_start3A_998 = tpu.memref_squeeze %dma_start3A_997 : memref<1x56x128xf32, #tpu.memory_space<hbm>> -> memref<56x128xf32, #tpu.memory_space<hbm>>
      %dma_start3A_999 = arith.constant 0 : i32
      %dma_start3A_1000 = arith.constant 0 : i32
      %dma_start3A_1001 = tpu.memref_slice %dma_start3A_998[%dma_start3A_999, %dma_start3A_1000] : memref<56x128xf32, #tpu.memory_space<hbm>> -> memref<50x64xf32, #tpu.memory_space<hbm>>
      %dma_start3A_1002 = tpu.memref_slice %arg8[%dma_start3A_987] : memref<2x!tpu.dma_semaphore, #tpu.memory_space<semaphore_mem>> -> memref<1x!tpu.dma_semaphore, #tpu.memory_space<semaphore_mem>>
      %dma_start3A_1003 = tpu.memref_squeeze %dma_start3A_1002 : memref<1x!tpu.dma_semaphore, #tpu.memory_space<semaphore_mem>> -> memref<!tpu.dma_semaphore, #tpu.memory_space<semaphore_mem>>
      %dma_start3A_1004 = arith.constant 0 : i32
      %dma_start3A_1005 = arith.constant 0 : i32
      %dma_start3A_1006 = tpu.memref_slice %arg4[%add3A_985, %dma_start3A_1004, %dma_start3A_1005] : memref<16384x56x128xf32, #tpu.memory_space<hbm>> -> memref<1x56x128xf32, #tpu.memory_space<hbm>>
      %dma_start3A_1007 = tpu.memref_squeeze %dma_start3A_1006 : memref<1x56x128xf32, #tpu.memory_space<hbm>> -> memref<56x128xf32, #tpu.memory_space<hbm>>
      %dma_start3A_1008 = arith.constant 0 : i32
      %dma_start3A_1009 = arith.constant 0 : i32
      %dma_start3A_1010 = tpu.memref_slice %dma_start3A_1007[%dma_start3A_1008, %dma_start3A_1009] : memref<56x128xf32, #tpu.memory_space<hbm>> -> memref<50x64xf32, #tpu.memory_space<hbm>>
      %dma_start3A_1011 = arith.constant 0 : i32
      %dma_start3A_1012 = arith.constant 0 : i32
      %dma_start3A_1013 = tpu.memref_slice %arg6[%dma_start3A_986, %dma_start3A_1011, %dma_start3A_1012] : memref<2x400x64xf32, #tpu.memory_space<vmem>> -> memref<1x400x64xf32, #tpu.memory_space<vmem>>
      %dma_start3A_1014 = tpu.memref_squeeze %dma_start3A_1013 : memref<1x400x64xf32, #tpu.memory_space<vmem>> -> memref<400x64xf32, #tpu.memory_space<vmem>>
      %dma_start3A_1015 = arith.constant 300 : i32
      %dma_start3A_1016 = arith.constant 0 : i32
      %dma_start3A_1017 = tpu.memref_slice %dma_start3A_1014[%dma_start3A_1015, %dma_start3A_1016] : memref<400x64xf32, #tpu.memory_space<vmem>> -> memref<50x64xf32, #tpu.memory_space<vmem>>
      tpu.enqueue_dma source(%dma_start3A_1017 : memref<50x64xf32, #tpu.memory_space<vmem>>) target(%dma_start3A_1010 : memref<50x64xf32, #tpu.memory_space<hbm>>) target_semaphore(%dma_start3A_1003 : memref<!tpu.dma_semaphore, #tpu.memory_space<semaphore_mem>>)
      %mul3A_1018 = arith.constant 8 : i32
      %mul3A_1019 = arith.muli %add3A_740, %mul3A_1018 : i32
      %add3A_1020 = arith.addi %mul3A_4, %mul3A_1019 : i32
      %add3A_1021 = arith.constant 7 : i32
      %add3A_1022 = arith.addi %add3A_1020, %add3A_1021 : i32
      %dma_start3A_1023 = arith.constant 1 : i32
      %dma_start3A_1024 = arith.constant 1 : i32
      %dma_start3A_1025 = arith.constant 0 : i32
      %dma_start3A_1026 = arith.constant 0 : i32
      %dma_start3A_1027 = tpu.memref_slice %arg6[%dma_start3A_1023, %dma_start3A_1025, %dma_start3A_1026] : memref<2x400x64xf32, #tpu.memory_space<vmem>> -> memref<1x400x64xf32, #tpu.memory_space<vmem>>
      %dma_start3A_1028 = tpu.memref_squeeze %dma_start3A_1027 : memref<1x400x64xf32, #tpu.memory_space<vmem>> -> memref<400x64xf32, #tpu.memory_space<vmem>>
      %dma_start3A_1029 = arith.constant 350 : i32
      %dma_start3A_1030 = arith.constant 0 : i32
      %dma_start3A_1031 = tpu.memref_slice %dma_start3A_1028[%dma_start3A_1029, %dma_start3A_1030] : memref<400x64xf32, #tpu.memory_space<vmem>> -> memref<50x64xf32, #tpu.memory_space<vmem>>
      %dma_start3A_1032 = arith.constant 0 : i32
      %dma_start3A_1033 = arith.constant 0 : i32
      %dma_start3A_1034 = tpu.memref_slice %arg4[%add3A_1022, %dma_start3A_1032, %dma_start3A_1033] : memref<16384x56x128xf32, #tpu.memory_space<hbm>> -> memref<1x56x128xf32, #tpu.memory_space<hbm>>
      %dma_start3A_1035 = tpu.memref_squeeze %dma_start3A_1034 : memref<1x56x128xf32, #tpu.memory_space<hbm>> -> memref<56x128xf32, #tpu.memory_space<hbm>>
      %dma_start3A_1036 = arith.constant 0 : i32
      %dma_start3A_1037 = arith.constant 0 : i32
      %dma_start3A_1038 = tpu.memref_slice %dma_start3A_1035[%dma_start3A_1036, %dma_start3A_1037] : memref<56x128xf32, #tpu.memory_space<hbm>> -> memref<50x64xf32, #tpu.memory_space<hbm>>
      %dma_start3A_1039 = tpu.memref_slice %arg8[%dma_start3A_1024] : memref<2x!tpu.dma_semaphore, #tpu.memory_space<semaphore_mem>> -> memref<1x!tpu.dma_semaphore, #tpu.memory_space<semaphore_mem>>
      %dma_start3A_1040 = tpu.memref_squeeze %dma_start3A_1039 : memref<1x!tpu.dma_semaphore, #tpu.memory_space<semaphore_mem>> -> memref<!tpu.dma_semaphore, #tpu.memory_space<semaphore_mem>>
      %dma_start3A_1041 = arith.constant 0 : i32
      %dma_start3A_1042 = arith.constant 0 : i32
      %dma_start3A_1043 = tpu.memref_slice %arg4[%add3A_1022, %dma_start3A_1041, %dma_start3A_1042] : memref<16384x56x128xf32, #tpu.memory_space<hbm>> -> memref<1x56x128xf32, #tpu.memory_space<hbm>>
      %dma_start3A_1044 = tpu.memref_squeeze %dma_start3A_1043 : memref<1x56x128xf32, #tpu.memory_space<hbm>> -> memref<56x128xf32, #tpu.memory_space<hbm>>
      %dma_start3A_1045 = arith.constant 0 : i32
      %dma_start3A_1046 = arith.constant 0 : i32
      %dma_start3A_1047 = tpu.memref_slice %dma_start3A_1044[%dma_start3A_1045, %dma_start3A_1046] : memref<56x128xf32, #tpu.memory_space<hbm>> -> memref<50x64xf32, #tpu.memory_space<hbm>>
      %dma_start3A_1048 = arith.constant 0 : i32
      %dma_start3A_1049 = arith.constant 0 : i32
      %dma_start3A_1050 = tpu.memref_slice %arg6[%dma_start3A_1023, %dma_start3A_1048, %dma_start3A_1049] : memref<2x400x64xf32, #tpu.memory_space<vmem>> -> memref<1x400x64xf32, #tpu.memory_space<vmem>>
      %dma_start3A_1051 = tpu.memref_squeeze %dma_start3A_1050 : memref<1x400x64xf32, #tpu.memory_space<vmem>> -> memref<400x64xf32, #tpu.memory_space<vmem>>
      %dma_start3A_1052 = arith.constant 350 : i32
      %dma_start3A_1053 = arith.constant 0 : i32
      %dma_start3A_1054 = tpu.memref_slice %dma_start3A_1051[%dma_start3A_1052, %dma_start3A_1053] : memref<400x64xf32, #tpu.memory_space<vmem>> -> memref<50x64xf32, #tpu.memory_space<vmem>>
      tpu.enqueue_dma source(%dma_start3A_1054 : memref<50x64xf32, #tpu.memory_space<vmem>>) target(%dma_start3A_1047 : memref<50x64xf32, #tpu.memory_space<hbm>>) target_semaphore(%dma_start3A_1040 : memref<!tpu.dma_semaphore, #tpu.memory_space<semaphore_mem>>)
      %dma_wait3A_1055 = arith.constant 1 : i32
      %dma_wait3A_1056 = arith.constant 0 : i32
      %dma_wait3A_1057 = arith.constant 1 : i32
      %dma_wait3A_1058 = arith.constant 0 : i32
      %dma_wait3A_1059 = arith.constant 0 : i32
      %dma_wait3A_1060 = tpu.memref_slice %arg6[%dma_wait3A_1055, %dma_wait3A_1058, %dma_wait3A_1059] : memref<2x400x64xf32, #tpu.memory_space<vmem>> -> memref<1x400x64xf32, #tpu.memory_space<vmem>>
      %dma_wait3A_1061 = tpu.memref_squeeze %dma_wait3A_1060 : memref<1x400x64xf32, #tpu.memory_space<vmem>> -> memref<400x64xf32, #tpu.memory_space<vmem>>
      %dma_wait3A_1062 = arith.constant 0 : i32
      %dma_wait3A_1063 = arith.constant 0 : i32
      %dma_wait3A_1064 = tpu.memref_slice %dma_wait3A_1061[%dma_wait3A_1062, %dma_wait3A_1063] : memref<400x64xf32, #tpu.memory_space<vmem>> -> memref<50x64xf32, #tpu.memory_space<vmem>>
      %dma_wait3A_1065 = arith.constant 0 : i32
      %dma_wait3A_1066 = arith.constant 0 : i32
      %dma_wait3A_1067 = tpu.memref_slice %arg4[%dma_wait3A_1056, %dma_wait3A_1065, %dma_wait3A_1066] : memref<16384x56x128xf32, #tpu.memory_space<hbm>> -> memref<1x56x128xf32, #tpu.memory_space<hbm>>
      %dma_wait3A_1068 = tpu.memref_squeeze %dma_wait3A_1067 : memref<1x56x128xf32, #tpu.memory_space<hbm>> -> memref<56x128xf32, #tpu.memory_space<hbm>>
      %dma_wait3A_1069 = arith.constant 0 : i32
      %dma_wait3A_1070 = arith.constant 0 : i32
      %dma_wait3A_1071 = tpu.memref_slice %dma_wait3A_1068[%dma_wait3A_1069, %dma_wait3A_1070] : memref<56x128xf32, #tpu.memory_space<hbm>> -> memref<50x64xf32, #tpu.memory_space<hbm>>
      %dma_wait3A_1072 = tpu.memref_slice %arg8[%dma_wait3A_1057] : memref<2x!tpu.dma_semaphore, #tpu.memory_space<semaphore_mem>> -> memref<1x!tpu.dma_semaphore, #tpu.memory_space<semaphore_mem>>
      %dma_wait3A_1073 = tpu.memref_squeeze %dma_wait3A_1072 : memref<1x!tpu.dma_semaphore, #tpu.memory_space<semaphore_mem>> -> memref<!tpu.dma_semaphore, #tpu.memory_space<semaphore_mem>>
      %dma_wait3A_1074 = arith.constant 0 : i32
      %dma_wait3A_1075 = arith.constant 0 : i32
      %dma_wait3A_1076 = tpu.memref_slice %arg4[%dma_wait3A_1056, %dma_wait3A_1074, %dma_wait3A_1075] : memref<16384x56x128xf32, #tpu.memory_space<hbm>> -> memref<1x56x128xf32, #tpu.memory_space<hbm>>
      %dma_wait3A_1077 = tpu.memref_squeeze %dma_wait3A_1076 : memref<1x56x128xf32, #tpu.memory_space<hbm>> -> memref<56x128xf32, #tpu.memory_space<hbm>>
      %dma_wait3A_1078 = arith.constant 0 : i32
      %dma_wait3A_1079 = arith.constant 0 : i32
      %dma_wait3A_1080 = tpu.memref_slice %dma_wait3A_1077[%dma_wait3A_1078, %dma_wait3A_1079] : memref<56x128xf32, #tpu.memory_space<hbm>> -> memref<50x64xf32, #tpu.memory_space<hbm>>
      %dma_wait3A_1081 = arith.constant 0 : i32
      %dma_wait3A_1082 = arith.constant 0 : i32
      %dma_wait3A_1083 = tpu.memref_slice %arg6[%dma_wait3A_1055, %dma_wait3A_1081, %dma_wait3A_1082] : memref<2x400x64xf32, #tpu.memory_space<vmem>> -> memref<1x400x64xf32, #tpu.memory_space<vmem>>
      %dma_wait3A_1084 = tpu.memref_squeeze %dma_wait3A_1083 : memref<1x400x64xf32, #tpu.memory_space<vmem>> -> memref<400x64xf32, #tpu.memory_space<vmem>>
      %dma_wait3A_1085 = arith.constant 0 : i32
      %dma_wait3A_1086 = arith.constant 0 : i32
      %dma_wait3A_1087 = tpu.memref_slice %dma_wait3A_1084[%dma_wait3A_1085, %dma_wait3A_1086] : memref<400x64xf32, #tpu.memory_space<vmem>> -> memref<50x64xf32, #tpu.memory_space<vmem>>
      tpu.wait_dma2 semaphore(%dma_wait3A_1073 : memref<!tpu.dma_semaphore, #tpu.memory_space<semaphore_mem>>) src(%dma_wait3A_1087 : memref<50x64xf32, #tpu.memory_space<vmem>>) dst(%dma_wait3A_1080 : memref<50x64xf32, #tpu.memory_space<hbm>>)
      %dma_wait3A_1088 = arith.constant 1 : i32
      %dma_wait3A_1089 = arith.constant 0 : i32
      %dma_wait3A_1090 = arith.constant 1 : i32
      %dma_wait3A_1091 = arith.constant 0 : i32
      %dma_wait3A_1092 = arith.constant 0 : i32
      %dma_wait3A_1093 = tpu.memref_slice %arg6[%dma_wait3A_1088, %dma_wait3A_1091, %dma_wait3A_1092] : memref<2x400x64xf32, #tpu.memory_space<vmem>> -> memref<1x400x64xf32, #tpu.memory_space<vmem>>
      %dma_wait3A_1094 = tpu.memref_squeeze %dma_wait3A_1093 : memref<1x400x64xf32, #tpu.memory_space<vmem>> -> memref<400x64xf32, #tpu.memory_space<vmem>>
      %dma_wait3A_1095 = arith.constant 0 : i32
      %dma_wait3A_1096 = arith.constant 0 : i32
      %dma_wait3A_1097 = tpu.memref_slice %dma_wait3A_1094[%dma_wait3A_1095, %dma_wait3A_1096] : memref<400x64xf32, #tpu.memory_space<vmem>> -> memref<50x64xf32, #tpu.memory_space<vmem>>
      %dma_wait3A_1098 = arith.constant 0 : i32
      %dma_wait3A_1099 = arith.constant 0 : i32
      %dma_wait3A_1100 = tpu.memref_slice %arg4[%dma_wait3A_1089, %dma_wait3A_1098, %dma_wait3A_1099] : memref<16384x56x128xf32, #tpu.memory_space<hbm>> -> memref<1x56x128xf32, #tpu.memory_space<hbm>>
      %dma_wait3A_1101 = tpu.memref_squeeze %dma_wait3A_1100 : memref<1x56x128xf32, #tpu.memory_space<hbm>> -> memref<56x128xf32, #tpu.memory_space<hbm>>
      %dma_wait3A_1102 = arith.constant 0 : i32
      %dma_wait3A_1103 = arith.constant 0 : i32
      %dma_wait3A_1104 = tpu.memref_slice %dma_wait3A_1101[%dma_wait3A_1102, %dma_wait3A_1103] : memref<56x128xf32, #tpu.memory_space<hbm>> -> memref<50x64xf32, #tpu.memory_space<hbm>>
      %dma_wait3A_1105 = tpu.memref_slice %arg8[%dma_wait3A_1090] : memref<2x!tpu.dma_semaphore, #tpu.memory_space<semaphore_mem>> -> memref<1x!tpu.dma_semaphore, #tpu.memory_space<semaphore_mem>>
      %dma_wait3A_1106 = tpu.memref_squeeze %dma_wait3A_1105 : memref<1x!tpu.dma_semaphore, #tpu.memory_space<semaphore_mem>> -> memref<!tpu.dma_semaphore, #tpu.memory_space<semaphore_mem>>
      %dma_wait3A_1107 = arith.constant 0 : i32
      %dma_wait3A_1108 = arith.constant 0 : i32
      %dma_wait3A_1109 = tpu.memref_slice %arg4[%dma_wait3A_1089, %dma_wait3A_1107, %dma_wait3A_1108] : memref<16384x56x128xf32, #tpu.memory_space<hbm>> -> memref<1x56x128xf32, #tpu.memory_space<hbm>>
      %dma_wait3A_1110 = tpu.memref_squeeze %dma_wait3A_1109 : memref<1x56x128xf32, #tpu.memory_space<hbm>> -> memref<56x128xf32, #tpu.memory_space<hbm>>
      %dma_wait3A_1111 = arith.constant 0 : i32
      %dma_wait3A_1112 = arith.constant 0 : i32
      %dma_wait3A_1113 = tpu.memref_slice %dma_wait3A_1110[%dma_wait3A_1111, %dma_wait3A_1112] : memref<56x128xf32, #tpu.memory_space<hbm>> -> memref<50x64xf32, #tpu.memory_space<hbm>>
      %dma_wait3A_1114 = arith.constant 0 : i32
      %dma_wait3A_1115 = arith.constant 0 : i32
      %dma_wait3A_1116 = tpu.memref_slice %arg6[%dma_wait3A_1088, %dma_wait3A_1114, %dma_wait3A_1115] : memref<2x400x64xf32, #tpu.memory_space<vmem>> -> memref<1x400x64xf32, #tpu.memory_space<vmem>>
      %dma_wait3A_1117 = tpu.memref_squeeze %dma_wait3A_1116 : memref<1x400x64xf32, #tpu.memory_space<vmem>> -> memref<400x64xf32, #tpu.memory_space<vmem>>
      %dma_wait3A_1118 = arith.constant 0 : i32
      %dma_wait3A_1119 = arith.constant 0 : i32
      %dma_wait3A_1120 = tpu.memref_slice %dma_wait3A_1117[%dma_wait3A_1118, %dma_wait3A_1119] : memref<400x64xf32, #tpu.memory_space<vmem>> -> memref<50x64xf32, #tpu.memory_space<vmem>>
      tpu.wait_dma2 semaphore(%dma_wait3A_1106 : memref<!tpu.dma_semaphore, #tpu.memory_space<semaphore_mem>>) src(%dma_wait3A_1120 : memref<50x64xf32, #tpu.memory_space<vmem>>) dst(%dma_wait3A_1113 : memref<50x64xf32, #tpu.memory_space<hbm>>)
      %dma_wait3A_1121 = arith.constant 1 : i32
      %dma_wait3A_1122 = arith.constant 0 : i32
      %dma_wait3A_1123 = arith.constant 1 : i32
      %dma_wait3A_1124 = arith.constant 0 : i32
      %dma_wait3A_1125 = arith.constant 0 : i32
      %dma_wait3A_1126 = tpu.memref_slice %arg6[%dma_wait3A_1121, %dma_wait3A_1124, %dma_wait3A_1125] : memref<2x400x64xf32, #tpu.memory_space<vmem>> -> memref<1x400x64xf32, #tpu.memory_space<vmem>>
      %dma_wait3A_1127 = tpu.memref_squeeze %dma_wait3A_1126 : memref<1x400x64xf32, #tpu.memory_space<vmem>> -> memref<400x64xf32, #tpu.memory_space<vmem>>
      %dma_wait3A_1128 = arith.constant 0 : i32
      %dma_wait3A_1129 = arith.constant 0 : i32
      %dma_wait3A_1130 = tpu.memref_slice %dma_wait3A_1127[%dma_wait3A_1128, %dma_wait3A_1129] : memref<400x64xf32, #tpu.memory_space<vmem>> -> memref<50x64xf32, #tpu.memory_space<vmem>>
      %dma_wait3A_1131 = arith.constant 0 : i32
      %dma_wait3A_1132 = arith.constant 0 : i32
      %dma_wait3A_1133 = tpu.memref_slice %arg4[%dma_wait3A_1122, %dma_wait3A_1131, %dma_wait3A_1132] : memref<16384x56x128xf32, #tpu.memory_space<hbm>> -> memref<1x56x128xf32, #tpu.memory_space<hbm>>
      %dma_wait3A_1134 = tpu.memref_squeeze %dma_wait3A_1133 : memref<1x56x128xf32, #tpu.memory_space<hbm>> -> memref<56x128xf32, #tpu.memory_space<hbm>>
      %dma_wait3A_1135 = arith.constant 0 : i32
      %dma_wait3A_1136 = arith.constant 0 : i32
      %dma_wait3A_1137 = tpu.memref_slice %dma_wait3A_1134[%dma_wait3A_1135, %dma_wait3A_1136] : memref<56x128xf32, #tpu.memory_space<hbm>> -> memref<50x64xf32, #tpu.memory_space<hbm>>
      %dma_wait3A_1138 = tpu.memref_slice %arg8[%dma_wait3A_1123] : memref<2x!tpu.dma_semaphore, #tpu.memory_space<semaphore_mem>> -> memref<1x!tpu.dma_semaphore, #tpu.memory_space<semaphore_mem>>
      %dma_wait3A_1139 = tpu.memref_squeeze %dma_wait3A_1138 : memref<1x!tpu.dma_semaphore, #tpu.memory_space<semaphore_mem>> -> memref<!tpu.dma_semaphore, #tpu.memory_space<semaphore_mem>>
      %dma_wait3A_1140 = arith.constant 0 : i32
      %dma_wait3A_1141 = arith.constant 0 : i32
      %dma_wait3A_1142 = tpu.memref_slice %arg4[%dma_wait3A_1122, %dma_wait3A_1140, %dma_wait3A_1141] : memref<16384x56x128xf32, #tpu.memory_space<hbm>> -> memref<1x56x128xf32, #tpu.memory_space<hbm>>
      %dma_wait3A_1143 = tpu.memref_squeeze %dma_wait3A_1142 : memref<1x56x128xf32, #tpu.memory_space<hbm>> -> memref<56x128xf32, #tpu.memory_space<hbm>>
      %dma_wait3A_1144 = arith.constant 0 : i32
      %dma_wait3A_1145 = arith.constant 0 : i32
      %dma_wait3A_1146 = tpu.memref_slice %dma_wait3A_1143[%dma_wait3A_1144, %dma_wait3A_1145] : memref<56x128xf32, #tpu.memory_space<hbm>> -> memref<50x64xf32, #tpu.memory_space<hbm>>
      %dma_wait3A_1147 = arith.constant 0 : i32
      %dma_wait3A_1148 = arith.constant 0 : i32
      %dma_wait3A_1149 = tpu.memref_slice %arg6[%dma_wait3A_1121, %dma_wait3A_1147, %dma_wait3A_1148] : memref<2x400x64xf32, #tpu.memory_space<vmem>> -> memref<1x400x64xf32, #tpu.memory_space<vmem>>
      %dma_wait3A_1150 = tpu.memref_squeeze %dma_wait3A_1149 : memref<1x400x64xf32, #tpu.memory_space<vmem>> -> memref<400x64xf32, #tpu.memory_space<vmem>>
      %dma_wait3A_1151 = arith.constant 0 : i32
      %dma_wait3A_1152 = arith.constant 0 : i32
      %dma_wait3A_1153 = tpu.memref_slice %dma_wait3A_1150[%dma_wait3A_1151, %dma_wait3A_1152] : memref<400x64xf32, #tpu.memory_space<vmem>> -> memref<50x64xf32, #tpu.memory_space<vmem>>
      tpu.wait_dma2 semaphore(%dma_wait3A_1139 : memref<!tpu.dma_semaphore, #tpu.memory_space<semaphore_mem>>) src(%dma_wait3A_1153 : memref<50x64xf32, #tpu.memory_space<vmem>>) dst(%dma_wait3A_1146 : memref<50x64xf32, #tpu.memory_space<hbm>>)
      %dma_wait3A_1154 = arith.constant 1 : i32
      %dma_wait3A_1155 = arith.constant 0 : i32
      %dma_wait3A_1156 = arith.constant 1 : i32
      %dma_wait3A_1157 = arith.constant 0 : i32
      %dma_wait3A_1158 = arith.constant 0 : i32
      %dma_wait3A_1159 = tpu.memref_slice %arg6[%dma_wait3A_1154, %dma_wait3A_1157, %dma_wait3A_1158] : memref<2x400x64xf32, #tpu.memory_space<vmem>> -> memref<1x400x64xf32, #tpu.memory_space<vmem>>
      %dma_wait3A_1160 = tpu.memref_squeeze %dma_wait3A_1159 : memref<1x400x64xf32, #tpu.memory_space<vmem>> -> memref<400x64xf32, #tpu.memory_space<vmem>>
      %dma_wait3A_1161 = arith.constant 0 : i32
      %dma_wait3A_1162 = arith.constant 0 : i32
      %dma_wait3A_1163 = tpu.memref_slice %dma_wait3A_1160[%dma_wait3A_1161, %dma_wait3A_1162] : memref<400x64xf32, #tpu.memory_space<vmem>> -> memref<50x64xf32, #tpu.memory_space<vmem>>
      %dma_wait3A_1164 = arith.constant 0 : i32
      %dma_wait3A_1165 = arith.constant 0 : i32
      %dma_wait3A_1166 = tpu.memref_slice %arg4[%dma_wait3A_1155, %dma_wait3A_1164, %dma_wait3A_1165] : memref<16384x56x128xf32, #tpu.memory_space<hbm>> -> memref<1x56x128xf32, #tpu.memory_space<hbm>>
      %dma_wait3A_1167 = tpu.memref_squeeze %dma_wait3A_1166 : memref<1x56x128xf32, #tpu.memory_space<hbm>> -> memref<56x128xf32, #tpu.memory_space<hbm>>
      %dma_wait3A_1168 = arith.constant 0 : i32
      %dma_wait3A_1169 = arith.constant 0 : i32
      %dma_wait3A_1170 = tpu.memref_slice %dma_wait3A_1167[%dma_wait3A_1168, %dma_wait3A_1169] : memref<56x128xf32, #tpu.memory_space<hbm>> -> memref<50x64xf32, #tpu.memory_space<hbm>>
      %dma_wait3A_1171 = tpu.memref_slice %arg8[%dma_wait3A_1156] : memref<2x!tpu.dma_semaphore, #tpu.memory_space<semaphore_mem>> -> memref<1x!tpu.dma_semaphore, #tpu.memory_space<semaphore_mem>>
      %dma_wait3A_1172 = tpu.memref_squeeze %dma_wait3A_1171 : memref<1x!tpu.dma_semaphore, #tpu.memory_space<semaphore_mem>> -> memref<!tpu.dma_semaphore, #tpu.memory_space<semaphore_mem>>
      %dma_wait3A_1173 = arith.constant 0 : i32
      %dma_wait3A_1174 = arith.constant 0 : i32
      %dma_wait3A_1175 = tpu.memref_slice %arg4[%dma_wait3A_1155, %dma_wait3A_1173, %dma_wait3A_1174] : memref<16384x56x128xf32, #tpu.memory_space<hbm>> -> memref<1x56x128xf32, #tpu.memory_space<hbm>>
      %dma_wait3A_1176 = tpu.memref_squeeze %dma_wait3A_1175 : memref<1x56x128xf32, #tpu.memory_space<hbm>> -> memref<56x128xf32, #tpu.memory_space<hbm>>
      %dma_wait3A_1177 = arith.constant 0 : i32
      %dma_wait3A_1178 = arith.constant 0 : i32
      %dma_wait3A_1179 = tpu.memref_slice %dma_wait3A_1176[%dma_wait3A_1177, %dma_wait3A_1178] : memref<56x128xf32, #tpu.memory_space<hbm>> -> memref<50x64xf32, #tpu.memory_space<hbm>>
      %dma_wait3A_1180 = arith.constant 0 : i32
      %dma_wait3A_1181 = arith.constant 0 : i32
      %dma_wait3A_1182 = tpu.memref_slice %arg6[%dma_wait3A_1154, %dma_wait3A_1180, %dma_wait3A_1181] : memref<2x400x64xf32, #tpu.memory_space<vmem>> -> memref<1x400x64xf32, #tpu.memory_space<vmem>>
      %dma_wait3A_1183 = tpu.memref_squeeze %dma_wait3A_1182 : memref<1x400x64xf32, #tpu.memory_space<vmem>> -> memref<400x64xf32, #tpu.memory_space<vmem>>
      %dma_wait3A_1184 = arith.constant 0 : i32
      %dma_wait3A_1185 = arith.constant 0 : i32
      %dma_wait3A_1186 = tpu.memref_slice %dma_wait3A_1183[%dma_wait3A_1184, %dma_wait3A_1185] : memref<400x64xf32, #tpu.memory_space<vmem>> -> memref<50x64xf32, #tpu.memory_space<vmem>>
      tpu.wait_dma2 semaphore(%dma_wait3A_1172 : memref<!tpu.dma_semaphore, #tpu.memory_space<semaphore_mem>>) src(%dma_wait3A_1186 : memref<50x64xf32, #tpu.memory_space<vmem>>) dst(%dma_wait3A_1179 : memref<50x64xf32, #tpu.memory_space<hbm>>)
      %dma_wait3A_1187 = arith.constant 1 : i32
      %dma_wait3A_1188 = arith.constant 0 : i32
      %dma_wait3A_1189 = arith.constant 1 : i32
      %dma_wait3A_1190 = arith.constant 0 : i32
      %dma_wait3A_1191 = arith.constant 0 : i32
      %dma_wait3A_1192 = tpu.memref_slice %arg6[%dma_wait3A_1187, %dma_wait3A_1190, %dma_wait3A_1191] : memref<2x400x64xf32, #tpu.memory_space<vmem>> -> memref<1x400x64xf32, #tpu.memory_space<vmem>>
      %dma_wait3A_1193 = tpu.memref_squeeze %dma_wait3A_1192 : memref<1x400x64xf32, #tpu.memory_space<vmem>> -> memref<400x64xf32, #tpu.memory_space<vmem>>
      %dma_wait3A_1194 = arith.constant 0 : i32
      %dma_wait3A_1195 = arith.constant 0 : i32
      %dma_wait3A_1196 = tpu.memref_slice %dma_wait3A_1193[%dma_wait3A_1194, %dma_wait3A_1195] : memref<400x64xf32, #tpu.memory_space<vmem>> -> memref<50x64xf32, #tpu.memory_space<vmem>>
      %dma_wait3A_1197 = arith.constant 0 : i32
      %dma_wait3A_1198 = arith.constant 0 : i32
      %dma_wait3A_1199 = tpu.memref_slice %arg4[%dma_wait3A_1188, %dma_wait3A_1197, %dma_wait3A_1198] : memref<16384x56x128xf32, #tpu.memory_space<hbm>> -> memref<1x56x128xf32, #tpu.memory_space<hbm>>
      %dma_wait3A_1200 = tpu.memref_squeeze %dma_wait3A_1199 : memref<1x56x128xf32, #tpu.memory_space<hbm>> -> memref<56x128xf32, #tpu.memory_space<hbm>>
      %dma_wait3A_1201 = arith.constant 0 : i32
      %dma_wait3A_1202 = arith.constant 0 : i32
      %dma_wait3A_1203 = tpu.memref_slice %dma_wait3A_1200[%dma_wait3A_1201, %dma_wait3A_1202] : memref<56x128xf32, #tpu.memory_space<hbm>> -> memref<50x64xf32, #tpu.memory_space<hbm>>
      %dma_wait3A_1204 = tpu.memref_slice %arg8[%dma_wait3A_1189] : memref<2x!tpu.dma_semaphore, #tpu.memory_space<semaphore_mem>> -> memref<1x!tpu.dma_semaphore, #tpu.memory_space<semaphore_mem>>
      %dma_wait3A_1205 = tpu.memref_squeeze %dma_wait3A_1204 : memref<1x!tpu.dma_semaphore, #tpu.memory_space<semaphore_mem>> -> memref<!tpu.dma_semaphore, #tpu.memory_space<semaphore_mem>>
      %dma_wait3A_1206 = arith.constant 0 : i32
      %dma_wait3A_1207 = arith.constant 0 : i32
      %dma_wait3A_1208 = tpu.memref_slice %arg4[%dma_wait3A_1188, %dma_wait3A_1206, %dma_wait3A_1207] : memref<16384x56x128xf32, #tpu.memory_space<hbm>> -> memref<1x56x128xf32, #tpu.memory_space<hbm>>
      %dma_wait3A_1209 = tpu.memref_squeeze %dma_wait3A_1208 : memref<1x56x128xf32, #tpu.memory_space<hbm>> -> memref<56x128xf32, #tpu.memory_space<hbm>>
      %dma_wait3A_1210 = arith.constant 0 : i32
      %dma_wait3A_1211 = arith.constant 0 : i32
      %dma_wait3A_1212 = tpu.memref_slice %dma_wait3A_1209[%dma_wait3A_1210, %dma_wait3A_1211] : memref<56x128xf32, #tpu.memory_space<hbm>> -> memref<50x64xf32, #tpu.memory_space<hbm>>
      %dma_wait3A_1213 = arith.constant 0 : i32
      %dma_wait3A_1214 = arith.constant 0 : i32
      %dma_wait3A_1215 = tpu.memref_slice %arg6[%dma_wait3A_1187, %dma_wait3A_1213, %dma_wait3A_1214] : memref<2x400x64xf32, #tpu.memory_space<vmem>> -> memref<1x400x64xf32, #tpu.memory_space<vmem>>
      %dma_wait3A_1216 = tpu.memref_squeeze %dma_wait3A_1215 : memref<1x400x64xf32, #tpu.memory_space<vmem>> -> memref<400x64xf32, #tpu.memory_space<vmem>>
      %dma_wait3A_1217 = arith.constant 0 : i32
      %dma_wait3A_1218 = arith.constant 0 : i32
      %dma_wait3A_1219 = tpu.memref_slice %dma_wait3A_1216[%dma_wait3A_1217, %dma_wait3A_1218] : memref<400x64xf32, #tpu.memory_space<vmem>> -> memref<50x64xf32, #tpu.memory_space<vmem>>
      tpu.wait_dma2 semaphore(%dma_wait3A_1205 : memref<!tpu.dma_semaphore, #tpu.memory_space<semaphore_mem>>) src(%dma_wait3A_1219 : memref<50x64xf32, #tpu.memory_space<vmem>>) dst(%dma_wait3A_1212 : memref<50x64xf32, #tpu.memory_space<hbm>>)
      %dma_wait3A_1220 = arith.constant 1 : i32
      %dma_wait3A_1221 = arith.constant 0 : i32
      %dma_wait3A_1222 = arith.constant 1 : i32
      %dma_wait3A_1223 = arith.constant 0 : i32
      %dma_wait3A_1224 = arith.constant 0 : i32
      %dma_wait3A_1225 = tpu.memref_slice %arg6[%dma_wait3A_1220, %dma_wait3A_1223, %dma_wait3A_1224] : memref<2x400x64xf32, #tpu.memory_space<vmem>> -> memref<1x400x64xf32, #tpu.memory_space<vmem>>
      %dma_wait3A_1226 = tpu.memref_squeeze %dma_wait3A_1225 : memref<1x400x64xf32, #tpu.memory_space<vmem>> -> memref<400x64xf32, #tpu.memory_space<vmem>>
      %dma_wait3A_1227 = arith.constant 0 : i32
      %dma_wait3A_1228 = arith.constant 0 : i32
      %dma_wait3A_1229 = tpu.memref_slice %dma_wait3A_1226[%dma_wait3A_1227, %dma_wait3A_1228] : memref<400x64xf32, #tpu.memory_space<vmem>> -> memref<50x64xf32, #tpu.memory_space<vmem>>
      %dma_wait3A_1230 = arith.constant 0 : i32
      %dma_wait3A_1231 = arith.constant 0 : i32
      %dma_wait3A_1232 = tpu.memref_slice %arg4[%dma_wait3A_1221, %dma_wait3A_1230, %dma_wait3A_1231] : memref<16384x56x128xf32, #tpu.memory_space<hbm>> -> memref<1x56x128xf32, #tpu.memory_space<hbm>>
      %dma_wait3A_1233 = tpu.memref_squeeze %dma_wait3A_1232 : memref<1x56x128xf32, #tpu.memory_space<hbm>> -> memref<56x128xf32, #tpu.memory_space<hbm>>
      %dma_wait3A_1234 = arith.constant 0 : i32
      %dma_wait3A_1235 = arith.constant 0 : i32
      %dma_wait3A_1236 = tpu.memref_slice %dma_wait3A_1233[%dma_wait3A_1234, %dma_wait3A_1235] : memref<56x128xf32, #tpu.memory_space<hbm>> -> memref<50x64xf32, #tpu.memory_space<hbm>>
      %dma_wait3A_1237 = tpu.memref_slice %arg8[%dma_wait3A_1222] : memref<2x!tpu.dma_semaphore, #tpu.memory_space<semaphore_mem>> -> memref<1x!tpu.dma_semaphore, #tpu.memory_space<semaphore_mem>>
      %dma_wait3A_1238 = tpu.memref_squeeze %dma_wait3A_1237 : memref<1x!tpu.dma_semaphore, #tpu.memory_space<semaphore_mem>> -> memref<!tpu.dma_semaphore, #tpu.memory_space<semaphore_mem>>
      %dma_wait3A_1239 = arith.constant 0 : i32
      %dma_wait3A_1240 = arith.constant 0 : i32
      %dma_wait3A_1241 = tpu.memref_slice %arg4[%dma_wait3A_1221, %dma_wait3A_1239, %dma_wait3A_1240] : memref<16384x56x128xf32, #tpu.memory_space<hbm>> -> memref<1x56x128xf32, #tpu.memory_space<hbm>>
      %dma_wait3A_1242 = tpu.memref_squeeze %dma_wait3A_1241 : memref<1x56x128xf32, #tpu.memory_space<hbm>> -> memref<56x128xf32, #tpu.memory_space<hbm>>
      %dma_wait3A_1243 = arith.constant 0 : i32
      %dma_wait3A_1244 = arith.constant 0 : i32
      %dma_wait3A_1245 = tpu.memref_slice %dma_wait3A_1242[%dma_wait3A_1243, %dma_wait3A_1244] : memref<56x128xf32, #tpu.memory_space<hbm>> -> memref<50x64xf32, #tpu.memory_space<hbm>>
      %dma_wait3A_1246 = arith.constant 0 : i32
      %dma_wait3A_1247 = arith.constant 0 : i32
      %dma_wait3A_1248 = tpu.memref_slice %arg6[%dma_wait3A_1220, %dma_wait3A_1246, %dma_wait3A_1247] : memref<2x400x64xf32, #tpu.memory_space<vmem>> -> memref<1x400x64xf32, #tpu.memory_space<vmem>>
      %dma_wait3A_1249 = tpu.memref_squeeze %dma_wait3A_1248 : memref<1x400x64xf32, #tpu.memory_space<vmem>> -> memref<400x64xf32, #tpu.memory_space<vmem>>
      %dma_wait3A_1250 = arith.constant 0 : i32
      %dma_wait3A_1251 = arith.constant 0 : i32
      %dma_wait3A_1252 = tpu.memref_slice %dma_wait3A_1249[%dma_wait3A_1250, %dma_wait3A_1251] : memref<400x64xf32, #tpu.memory_space<vmem>> -> memref<50x64xf32, #tpu.memory_space<vmem>>
      tpu.wait_dma2 semaphore(%dma_wait3A_1238 : memref<!tpu.dma_semaphore, #tpu.memory_space<semaphore_mem>>) src(%dma_wait3A_1252 : memref<50x64xf32, #tpu.memory_space<vmem>>) dst(%dma_wait3A_1245 : memref<50x64xf32, #tpu.memory_space<hbm>>)
      %dma_wait3A_1253 = arith.constant 1 : i32
      %dma_wait3A_1254 = arith.constant 0 : i32
      %dma_wait3A_1255 = arith.constant 1 : i32
      %dma_wait3A_1256 = arith.constant 0 : i32
      %dma_wait3A_1257 = arith.constant 0 : i32
      %dma_wait3A_1258 = tpu.memref_slice %arg6[%dma_wait3A_1253, %dma_wait3A_1256, %dma_wait3A_1257] : memref<2x400x64xf32, #tpu.memory_space<vmem>> -> memref<1x400x64xf32, #tpu.memory_space<vmem>>
      %dma_wait3A_1259 = tpu.memref_squeeze %dma_wait3A_1258 : memref<1x400x64xf32, #tpu.memory_space<vmem>> -> memref<400x64xf32, #tpu.memory_space<vmem>>
      %dma_wait3A_1260 = arith.constant 0 : i32
      %dma_wait3A_1261 = arith.constant 0 : i32
      %dma_wait3A_1262 = tpu.memref_slice %dma_wait3A_1259[%dma_wait3A_1260, %dma_wait3A_1261] : memref<400x64xf32, #tpu.memory_space<vmem>> -> memref<50x64xf32, #tpu.memory_space<vmem>>
      %dma_wait3A_1263 = arith.constant 0 : i32
      %dma_wait3A_1264 = arith.constant 0 : i32
      %dma_wait3A_1265 = tpu.memref_slice %arg4[%dma_wait3A_1254, %dma_wait3A_1263, %dma_wait3A_1264] : memref<16384x56x128xf32, #tpu.memory_space<hbm>> -> memref<1x56x128xf32, #tpu.memory_space<hbm>>
      %dma_wait3A_1266 = tpu.memref_squeeze %dma_wait3A_1265 : memref<1x56x128xf32, #tpu.memory_space<hbm>> -> memref<56x128xf32, #tpu.memory_space<hbm>>
      %dma_wait3A_1267 = arith.constant 0 : i32
      %dma_wait3A_1268 = arith.constant 0 : i32
      %dma_wait3A_1269 = tpu.memref_slice %dma_wait3A_1266[%dma_wait3A_1267, %dma_wait3A_1268] : memref<56x128xf32, #tpu.memory_space<hbm>> -> memref<50x64xf32, #tpu.memory_space<hbm>>
      %dma_wait3A_1270 = tpu.memref_slice %arg8[%dma_wait3A_1255] : memref<2x!tpu.dma_semaphore, #tpu.memory_space<semaphore_mem>> -> memref<1x!tpu.dma_semaphore, #tpu.memory_space<semaphore_mem>>
      %dma_wait3A_1271 = tpu.memref_squeeze %dma_wait3A_1270 : memref<1x!tpu.dma_semaphore, #tpu.memory_space<semaphore_mem>> -> memref<!tpu.dma_semaphore, #tpu.memory_space<semaphore_mem>>
      %dma_wait3A_1272 = arith.constant 0 : i32
      %dma_wait3A_1273 = arith.constant 0 : i32
      %dma_wait3A_1274 = tpu.memref_slice %arg4[%dma_wait3A_1254, %dma_wait3A_1272, %dma_wait3A_1273] : memref<16384x56x128xf32, #tpu.memory_space<hbm>> -> memref<1x56x128xf32, #tpu.memory_space<hbm>>
      %dma_wait3A_1275 = tpu.memref_squeeze %dma_wait3A_1274 : memref<1x56x128xf32, #tpu.memory_space<hbm>> -> memref<56x128xf32, #tpu.memory_space<hbm>>
      %dma_wait3A_1276 = arith.constant 0 : i32
      %dma_wait3A_1277 = arith.constant 0 : i32
      %dma_wait3A_1278 = tpu.memref_slice %dma_wait3A_1275[%dma_wait3A_1276, %dma_wait3A_1277] : memref<56x128xf32, #tpu.memory_space<hbm>> -> memref<50x64xf32, #tpu.memory_space<hbm>>
      %dma_wait3A_1279 = arith.constant 0 : i32
      %dma_wait3A_1280 = arith.constant 0 : i32
      %dma_wait3A_1281 = tpu.memref_slice %arg6[%dma_wait3A_1253, %dma_wait3A_1279, %dma_wait3A_1280] : memref<2x400x64xf32, #tpu.memory_space<vmem>> -> memref<1x400x64xf32, #tpu.memory_space<vmem>>
      %dma_wait3A_1282 = tpu.memref_squeeze %dma_wait3A_1281 : memref<1x400x64xf32, #tpu.memory_space<vmem>> -> memref<400x64xf32, #tpu.memory_space<vmem>>
      %dma_wait3A_1283 = arith.constant 0 : i32
      %dma_wait3A_1284 = arith.constant 0 : i32
      %dma_wait3A_1285 = tpu.memref_slice %dma_wait3A_1282[%dma_wait3A_1283, %dma_wait3A_1284] : memref<400x64xf32, #tpu.memory_space<vmem>> -> memref<50x64xf32, #tpu.memory_space<vmem>>
      tpu.wait_dma2 semaphore(%dma_wait3A_1271 : memref<!tpu.dma_semaphore, #tpu.memory_space<semaphore_mem>>) src(%dma_wait3A_1285 : memref<50x64xf32, #tpu.memory_space<vmem>>) dst(%dma_wait3A_1278 : memref<50x64xf32, #tpu.memory_space<hbm>>)
      %dma_wait3A_1286 = arith.constant 1 : i32
      %dma_wait3A_1287 = arith.constant 0 : i32
      %dma_wait3A_1288 = arith.constant 1 : i32
      %dma_wait3A_1289 = arith.constant 0 : i32
      %dma_wait3A_1290 = arith.constant 0 : i32
      %dma_wait3A_1291 = tpu.memref_slice %arg6[%dma_wait3A_1286, %dma_wait3A_1289, %dma_wait3A_1290] : memref<2x400x64xf32, #tpu.memory_space<vmem>> -> memref<1x400x64xf32, #tpu.memory_space<vmem>>
      %dma_wait3A_1292 = tpu.memref_squeeze %dma_wait3A_1291 : memref<1x400x64xf32, #tpu.memory_space<vmem>> -> memref<400x64xf32, #tpu.memory_space<vmem>>
      %dma_wait3A_1293 = arith.constant 0 : i32
      %dma_wait3A_1294 = arith.constant 0 : i32
      %dma_wait3A_1295 = tpu.memref_slice %dma_wait3A_1292[%dma_wait3A_1293, %dma_wait3A_1294] : memref<400x64xf32, #tpu.memory_space<vmem>> -> memref<50x64xf32, #tpu.memory_space<vmem>>
      %dma_wait3A_1296 = arith.constant 0 : i32
      %dma_wait3A_1297 = arith.constant 0 : i32
      %dma_wait3A_1298 = tpu.memref_slice %arg4[%dma_wait3A_1287, %dma_wait3A_1296, %dma_wait3A_1297] : memref<16384x56x128xf32, #tpu.memory_space<hbm>> -> memref<1x56x128xf32, #tpu.memory_space<hbm>>
      %dma_wait3A_1299 = tpu.memref_squeeze %dma_wait3A_1298 : memref<1x56x128xf32, #tpu.memory_space<hbm>> -> memref<56x128xf32, #tpu.memory_space<hbm>>
      %dma_wait3A_1300 = arith.constant 0 : i32
      %dma_wait3A_1301 = arith.constant 0 : i32
      %dma_wait3A_1302 = tpu.memref_slice %dma_wait3A_1299[%dma_wait3A_1300, %dma_wait3A_1301] : memref<56x128xf32, #tpu.memory_space<hbm>> -> memref<50x64xf32, #tpu.memory_space<hbm>>
      %dma_wait3A_1303 = tpu.memref_slice %arg8[%dma_wait3A_1288] : memref<2x!tpu.dma_semaphore, #tpu.memory_space<semaphore_mem>> -> memref<1x!tpu.dma_semaphore, #tpu.memory_space<semaphore_mem>>
      %dma_wait3A_1304 = tpu.memref_squeeze %dma_wait3A_1303 : memref<1x!tpu.dma_semaphore, #tpu.memory_space<semaphore_mem>> -> memref<!tpu.dma_semaphore, #tpu.memory_space<semaphore_mem>>
      %dma_wait3A_1305 = arith.constant 0 : i32
      %dma_wait3A_1306 = arith.constant 0 : i32
      %dma_wait3A_1307 = tpu.memref_slice %arg4[%dma_wait3A_1287, %dma_wait3A_1305, %dma_wait3A_1306] : memref<16384x56x128xf32, #tpu.memory_space<hbm>> -> memref<1x56x128xf32, #tpu.memory_space<hbm>>
      %dma_wait3A_1308 = tpu.memref_squeeze %dma_wait3A_1307 : memref<1x56x128xf32, #tpu.memory_space<hbm>> -> memref<56x128xf32, #tpu.memory_space<hbm>>
      %dma_wait3A_1309 = arith.constant 0 : i32
      %dma_wait3A_1310 = arith.constant 0 : i32
      %dma_wait3A_1311 = tpu.memref_slice %dma_wait3A_1308[%dma_wait3A_1309, %dma_wait3A_1310] : memref<56x128xf32, #tpu.memory_space<hbm>> -> memref<50x64xf32, #tpu.memory_space<hbm>>
      %dma_wait3A_1312 = arith.constant 0 : i32
      %dma_wait3A_1313 = arith.constant 0 : i32
      %dma_wait3A_1314 = tpu.memref_slice %arg6[%dma_wait3A_1286, %dma_wait3A_1312, %dma_wait3A_1313] : memref<2x400x64xf32, #tpu.memory_space<vmem>> -> memref<1x400x64xf32, #tpu.memory_space<vmem>>
      %dma_wait3A_1315 = tpu.memref_squeeze %dma_wait3A_1314 : memref<1x400x64xf32, #tpu.memory_space<vmem>> -> memref<400x64xf32, #tpu.memory_space<vmem>>
      %dma_wait3A_1316 = arith.constant 0 : i32
      %dma_wait3A_1317 = arith.constant 0 : i32
      %dma_wait3A_1318 = tpu.memref_slice %dma_wait3A_1315[%dma_wait3A_1316, %dma_wait3A_1317] : memref<400x64xf32, #tpu.memory_space<vmem>> -> memref<50x64xf32, #tpu.memory_space<vmem>>
      tpu.wait_dma2 semaphore(%dma_wait3A_1304 : memref<!tpu.dma_semaphore, #tpu.memory_space<semaphore_mem>>) src(%dma_wait3A_1318 : memref<50x64xf32, #tpu.memory_space<vmem>>) dst(%dma_wait3A_1311 : memref<50x64xf32, #tpu.memory_space<hbm>>)
      %lt3A_1319 = arith.constant 31 : i32
      %lt3A_1320 = arith.cmpi slt, %scan3A_153, %lt3A_1319 : i32
      %convert_element_type3A_1321 = arith.extui %lt3A_1320 : i1 to i32
      %cond3A_1322 = arith.constant 0 : i32
      %cond3A_1323 = arith.cmpi ne, %convert_element_type3A_1321, %cond3A_1322 : i32
      scf.if %cond3A_1323 {
        %add3A_1324 = arith.constant 2 : i32
        %add3A_1325 = arith.addi %add3A_740, %add3A_1324 : i32
        %mul3A_1326 = arith.constant 4 : i32
        %mul3A_1327 = arith.muli %add3A_1325, %mul3A_1326 : i32
        %add3A_1328 = arith.constant 0 : i32
        %add3A_1329 = arith.addi %mul3A_1327, %add3A_1328 : i32
        %dma_start3A_1330 = arith.constant 1 : i32
        %dma_start3A_1331 = arith.constant 1 : i32
        %dma_start3A_1332 = arith.constant 0 : i32
        %dma_start3A_1333 = arith.constant 0 : i32
        %dma_start3A_1334 = tpu.memref_slice %arg6[%dma_start3A_1330, %dma_start3A_1332, %dma_start3A_1333] : memref<2x400x64xf32, #tpu.memory_space<vmem>> -> memref<1x400x64xf32, #tpu.memory_space<vmem>>
        %dma_start3A_1335 = tpu.memref_squeeze %dma_start3A_1334 : memref<1x400x64xf32, #tpu.memory_space<vmem>> -> memref<400x64xf32, #tpu.memory_space<vmem>>
        %dma_start3A_1336 = arith.constant 0 : i32
        %dma_start3A_1337 = arith.constant 0 : i32
        %dma_start3A_1338 = tpu.memref_slice %dma_start3A_1335[%dma_start3A_1336, %dma_start3A_1337] : memref<400x64xf32, #tpu.memory_space<vmem>> -> memref<100x64xf32, #tpu.memory_space<vmem>>
        %dma_start3A_1339 = arith.constant 0 : i32
        %dma_start3A_1340 = tpu.memref_slice %arg5[%add3A_1329, %dma_start3A_1339] : memref<256x100xi32, #tpu.memory_space<vmem>> -> memref<1x100xi32, #tpu.memory_space<vmem>>
        %dma_start3A_1341 = tpu.memref_squeeze %dma_start3A_1340 : memref<1x100xi32, #tpu.memory_space<vmem>> -> memref<100xi32, #tpu.memory_space<vmem>>
        %dma_start3A_1342 = arith.constant 0 : i32
        %dma_start3A_1343 = arith.constant 0 : i32
        %dma_start3A_1344 = tpu.memref_slice %arg2[%dma_start3A_1342, %dma_start3A_1343] : memref<1000000x64xf32, #tpu.memory_space<hbm>> -> memref<1000000x64xf32, #tpu.memory_space<hbm>>
        %dma_start3A_1345 = tpu.memref_slice %arg7[%dma_start3A_1331] : memref<2x!tpu.dma_semaphore, #tpu.memory_space<semaphore_mem>> -> memref<1x!tpu.dma_semaphore, #tpu.memory_space<semaphore_mem>>
        %dma_start3A_1346 = tpu.memref_squeeze %dma_start3A_1345 : memref<1x!tpu.dma_semaphore, #tpu.memory_space<semaphore_mem>> -> memref<!tpu.dma_semaphore, #tpu.memory_space<semaphore_mem>>
        tpu.enqueue_indirect_dma source(%dma_start3A_1344 : memref<1000000x64xf32, #tpu.memory_space<hbm>>) target(%dma_start3A_1338 : memref<100x64xf32, #tpu.memory_space<vmem>>) offsets(%dma_start3A_1341 : memref<100xi32, #tpu.memory_space<vmem>>) semaphore(%dma_start3A_1346 : memref<!tpu.dma_semaphore, #tpu.memory_space<semaphore_mem>>)
        %mul3A_1347 = arith.constant 4 : i32
        %mul3A_1348 = arith.muli %add3A_1325, %mul3A_1347 : i32
        %add3A_1349 = arith.constant 1 : i32
        %add3A_1350 = arith.addi %mul3A_1348, %add3A_1349 : i32
        %dma_start3A_1351 = arith.constant 1 : i32
        %dma_start3A_1352 = arith.constant 1 : i32
        %dma_start3A_1353 = arith.constant 0 : i32
        %dma_start3A_1354 = arith.constant 0 : i32
        %dma_start3A_1355 = tpu.memref_slice %arg6[%dma_start3A_1351, %dma_start3A_1353, %dma_start3A_1354] : memref<2x400x64xf32, #tpu.memory_space<vmem>> -> memref<1x400x64xf32, #tpu.memory_space<vmem>>
        %dma_start3A_1356 = tpu.memref_squeeze %dma_start3A_1355 : memref<1x400x64xf32, #tpu.memory_space<vmem>> -> memref<400x64xf32, #tpu.memory_space<vmem>>
        %dma_start3A_1357 = arith.constant 100 : i32
        %dma_start3A_1358 = arith.constant 0 : i32
        %dma_start3A_1359 = tpu.memref_slice %dma_start3A_1356[%dma_start3A_1357, %dma_start3A_1358] : memref<400x64xf32, #tpu.memory_space<vmem>> -> memref<100x64xf32, #tpu.memory_space<vmem>>
        %dma_start3A_1360 = arith.constant 0 : i32
        %dma_start3A_1361 = tpu.memref_slice %arg5[%add3A_1350, %dma_start3A_1360] : memref<256x100xi32, #tpu.memory_space<vmem>> -> memref<1x100xi32, #tpu.memory_space<vmem>>
        %dma_start3A_1362 = tpu.memref_squeeze %dma_start3A_1361 : memref<1x100xi32, #tpu.memory_space<vmem>> -> memref<100xi32, #tpu.memory_space<vmem>>
        %dma_start3A_1363 = arith.constant 0 : i32
        %dma_start3A_1364 = arith.constant 0 : i32
        %dma_start3A_1365 = tpu.memref_slice %arg2[%dma_start3A_1363, %dma_start3A_1364] : memref<1000000x64xf32, #tpu.memory_space<hbm>> -> memref<1000000x64xf32, #tpu.memory_space<hbm>>
        %dma_start3A_1366 = tpu.memref_slice %arg7[%dma_start3A_1352] : memref<2x!tpu.dma_semaphore, #tpu.memory_space<semaphore_mem>> -> memref<1x!tpu.dma_semaphore, #tpu.memory_space<semaphore_mem>>
        %dma_start3A_1367 = tpu.memref_squeeze %dma_start3A_1366 : memref<1x!tpu.dma_semaphore, #tpu.memory_space<semaphore_mem>> -> memref<!tpu.dma_semaphore, #tpu.memory_space<semaphore_mem>>
        tpu.enqueue_indirect_dma source(%dma_start3A_1365 : memref<1000000x64xf32, #tpu.memory_space<hbm>>) target(%dma_start3A_1359 : memref<100x64xf32, #tpu.memory_space<vmem>>) offsets(%dma_start3A_1362 : memref<100xi32, #tpu.memory_space<vmem>>) semaphore(%dma_start3A_1367 : memref<!tpu.dma_semaphore, #tpu.memory_space<semaphore_mem>>)
        %mul3A_1368 = arith.constant 4 : i32
        %mul3A_1369 = arith.muli %add3A_1325, %mul3A_1368 : i32
        %add3A_1370 = arith.constant 2 : i32
        %add3A_1371 = arith.addi %mul3A_1369, %add3A_1370 : i32
        %dma_start3A_1372 = arith.constant 1 : i32
        %dma_start3A_1373 = arith.constant 1 : i32
        %dma_start3A_1374 = arith.constant 0 : i32
        %dma_start3A_1375 = arith.constant 0 : i32
        %dma_start3A_1376 = tpu.memref_slice %arg6[%dma_start3A_1372, %dma_start3A_1374, %dma_start3A_1375] : memref<2x400x64xf32, #tpu.memory_space<vmem>> -> memref<1x400x64xf32, #tpu.memory_space<vmem>>
        %dma_start3A_1377 = tpu.memref_squeeze %dma_start3A_1376 : memref<1x400x64xf32, #tpu.memory_space<vmem>> -> memref<400x64xf32, #tpu.memory_space<vmem>>
        %dma_start3A_1378 = arith.constant 200 : i32
        %dma_start3A_1379 = arith.constant 0 : i32
        %dma_start3A_1380 = tpu.memref_slice %dma_start3A_1377[%dma_start3A_1378, %dma_start3A_1379] : memref<400x64xf32, #tpu.memory_space<vmem>> -> memref<100x64xf32, #tpu.memory_space<vmem>>
        %dma_start3A_1381 = arith.constant 0 : i32
        %dma_start3A_1382 = tpu.memref_slice %arg5[%add3A_1371, %dma_start3A_1381] : memref<256x100xi32, #tpu.memory_space<vmem>> -> memref<1x100xi32, #tpu.memory_space<vmem>>
        %dma_start3A_1383 = tpu.memref_squeeze %dma_start3A_1382 : memref<1x100xi32, #tpu.memory_space<vmem>> -> memref<100xi32, #tpu.memory_space<vmem>>
        %dma_start3A_1384 = arith.constant 0 : i32
        %dma_start3A_1385 = arith.constant 0 : i32
        %dma_start3A_1386 = tpu.memref_slice %arg2[%dma_start3A_1384, %dma_start3A_1385] : memref<1000000x64xf32, #tpu.memory_space<hbm>> -> memref<1000000x64xf32, #tpu.memory_space<hbm>>
        %dma_start3A_1387 = tpu.memref_slice %arg7[%dma_start3A_1373] : memref<2x!tpu.dma_semaphore, #tpu.memory_space<semaphore_mem>> -> memref<1x!tpu.dma_semaphore, #tpu.memory_space<semaphore_mem>>
        %dma_start3A_1388 = tpu.memref_squeeze %dma_start3A_1387 : memref<1x!tpu.dma_semaphore, #tpu.memory_space<semaphore_mem>> -> memref<!tpu.dma_semaphore, #tpu.memory_space<semaphore_mem>>
        tpu.enqueue_indirect_dma source(%dma_start3A_1386 : memref<1000000x64xf32, #tpu.memory_space<hbm>>) target(%dma_start3A_1380 : memref<100x64xf32, #tpu.memory_space<vmem>>) offsets(%dma_start3A_1383 : memref<100xi32, #tpu.memory_space<vmem>>) semaphore(%dma_start3A_1388 : memref<!tpu.dma_semaphore, #tpu.memory_space<semaphore_mem>>)
        %mul3A_1389 = arith.constant 4 : i32
        %mul3A_1390 = arith.muli %add3A_1325, %mul3A_1389 : i32
        %add3A_1391 = arith.constant 3 : i32
        %add3A_1392 = arith.addi %mul3A_1390, %add3A_1391 : i32
        %dma_start3A_1393 = arith.constant 1 : i32
        %dma_start3A_1394 = arith.constant 1 : i32
        %dma_start3A_1395 = arith.constant 0 : i32
        %dma_start3A_1396 = arith.constant 0 : i32
        %dma_start3A_1397 = tpu.memref_slice %arg6[%dma_start3A_1393, %dma_start3A_1395, %dma_start3A_1396] : memref<2x400x64xf32, #tpu.memory_space<vmem>> -> memref<1x400x64xf32, #tpu.memory_space<vmem>>
        %dma_start3A_1398 = tpu.memref_squeeze %dma_start3A_1397 : memref<1x400x64xf32, #tpu.memory_space<vmem>> -> memref<400x64xf32, #tpu.memory_space<vmem>>
        %dma_start3A_1399 = arith.constant 300 : i32
        %dma_start3A_1400 = arith.constant 0 : i32
        %dma_start3A_1401 = tpu.memref_slice %dma_start3A_1398[%dma_start3A_1399, %dma_start3A_1400] : memref<400x64xf32, #tpu.memory_space<vmem>> -> memref<100x64xf32, #tpu.memory_space<vmem>>
        %dma_start3A_1402 = arith.constant 0 : i32
        %dma_start3A_1403 = tpu.memref_slice %arg5[%add3A_1392, %dma_start3A_1402] : memref<256x100xi32, #tpu.memory_space<vmem>> -> memref<1x100xi32, #tpu.memory_space<vmem>>
        %dma_start3A_1404 = tpu.memref_squeeze %dma_start3A_1403 : memref<1x100xi32, #tpu.memory_space<vmem>> -> memref<100xi32, #tpu.memory_space<vmem>>
        %dma_start3A_1405 = arith.constant 0 : i32
        %dma_start3A_1406 = arith.constant 0 : i32
        %dma_start3A_1407 = tpu.memref_slice %arg2[%dma_start3A_1405, %dma_start3A_1406] : memref<1000000x64xf32, #tpu.memory_space<hbm>> -> memref<1000000x64xf32, #tpu.memory_space<hbm>>
        %dma_start3A_1408 = tpu.memref_slice %arg7[%dma_start3A_1394] : memref<2x!tpu.dma_semaphore, #tpu.memory_space<semaphore_mem>> -> memref<1x!tpu.dma_semaphore, #tpu.memory_space<semaphore_mem>>
        %dma_start3A_1409 = tpu.memref_squeeze %dma_start3A_1408 : memref<1x!tpu.dma_semaphore, #tpu.memory_space<semaphore_mem>> -> memref<!tpu.dma_semaphore, #tpu.memory_space<semaphore_mem>>
        tpu.enqueue_indirect_dma source(%dma_start3A_1407 : memref<1000000x64xf32, #tpu.memory_space<hbm>>) target(%dma_start3A_1401 : memref<100x64xf32, #tpu.memory_space<vmem>>) offsets(%dma_start3A_1404 : memref<100xi32, #tpu.memory_space<vmem>>) semaphore(%dma_start3A_1409 : memref<!tpu.dma_semaphore, #tpu.memory_space<semaphore_mem>>)
      } else {
      }
    }
    %scan3A_152 = arith.constant 32 : i32
    return
  }
}

</mosaic_0001>

<sc_bundles>
// kernel: kernel.3.cloned.1.call-start
scs
__scs_entry_jumppad:
0x0: {  	(pc) =	sbr.rel $0x88, $3  }
0x1: {  	(tag) =	ssettag $0x0;
	lr =	simm.s32 $0x1  }
0x2: {  	[smem:$0x3F9F] =	sst lr;
	_ =	strace $0xD0000000  }
0x3: {  	_ = 	snop  }
0x4: {  	_ = 	snop  }
0x5: {  	_ = 	snop  }
0x6: {  	_ = 	snop  }
0x7: {  	_ = 	snop  }
__scs_overlays_trampoline_lowered:
0x8: {  	[smem:$0x3FAE] =	sst s0  }
0x9: {  	[smem:$0x3FAF] =	sst s1  }
0xa: {  	[smem:$0x3FB0] =	sst s2  }
0xb: {  	[smem:$0x3FB1] =	sst s3  }
0xc: {  	[smem:$0x3FB2] =	sst s4  }
0xd: {  	[smem:$0x3FB3] =	sst s5  }
0xe: {  	[smem:$0x3FB4] =	sst s6  }
0xf: {  	[smem:$0x3FB5] =	sst s7  }
0x10: {  	[smem:$0x3FB6] =	sst s8  }
0x11: {  	[smem:$0x3FB7] =	sst s9;
	s0 =	simm.s32 @!p0 $0x0  }
0x12: {  	s1 =	sld [smem:$0x3F9D];
	s0 =	simm.s32 @p0 $0x1  }
0x13: {  	[smem:$0x3FB8] =	sst s0;
	s0 =	simm.s32 @!p1 $0x0  }
0x14: {  	s2 =	sld [smem:$0x3F9C];
	s0 =	simm.s32 @p1 $0x1  }
0x15: {  	[smem:$0x3FB9] =	sst s0;
	s0 =	simm.s32 @!p2 $0x0  }
0x16: {  	s3 =	sld [smem:$0x3FDB];
	s0 =	simm.s32 @p2 $0x1  }
0x17: {  	s4 =	simm.s32 $0x1BF5;
	[smem:$0x3FBB] =	sst s0  }
0x18: {  	s0 =	sld [smem:$0x3F9E];
	_ =	swait.ge [sflag:s4], $0x0  }
0x19: {  	s7 =	sld [smem:$0x3F9F]  }
0x1a: {  	s8 =	sadd.s32 $0xFFFFE003, lr  }
0x1b: {  	s9 =	sadd.s32 $0xFFFFFEF7, lr;
	s5 =	simm.s32 $0xFFFFFFFF;
	p2 =	slt.u32 s8, $0xFFFFF086  }
0x1c: {  	p1 =	slt.u32 s9, $0xF7A;
	s5 =	simm.s32 @!p2 $0x0  }
0x1d: {  	s5 =	simm.s32 @p1 $0x1;
	p0 =	seq.s32 s7, s2  }
0x1e: {  	s7 =	smul.u32 @!p0 $0xF7A, s2;
	p2 =	seq.s32 @!p0 s5, $0x0  }
0x1f: {  	s9 =	smul.u32 $0xF7A, s1;
	s8 =	simm.s32 @!p0 $0x1BF5;
	p2 =	por !p2, p0  }
0x20: {  	[sflag:s8] =	ssyncset.s32 @!p0 $0xFFFFF086;
	s6 =	sadd.s32 @!p0 s3, s7;
	s7 =	simm.s32 @!p0 $0x108  }
0x21: {  	s3 =	sadd.s32 s3, s9;
	s6 =	sadd.s32 @!p0 $0x88, s6;
	s7 =	simm.s32 @p2 $0x1082  }
0x22: {  	[simem:s7], [sflag:s8] =	dma.local @!p0 [hbm:s6], $0xF7A  }
0x23: {  	s9 =	sor.u32 $0xD0000000, s2;
	s6 =	simm.s32 $0x108;
	_ =	swait.ge @!p0 [sflag:s8], $0x0  }
0x24: {  	s3 =	sadd.s32 $0x88, s3;
	s6 =	simm.s32 @!p1 $0x1082;
	[sflag:s4] =	ssyncset.s32 $0xFFFFF086  }
0x25: {  	[simem:s6], [sflag:s4] =	dma.local [hbm:s3], $0xF7A  }
0x26: {  	[smem:$0x3F9F] =	sst s1;
	(tag) =	ssettag s2;
	_ =	strace s9  }
0x27: {  	s1 =	sld [smem:$0x3FAF]  }
0x28: {  	s2 =	sld [smem:$0x3FB0]  }
0x29: {  	s4 =	sld [smem:$0x3FB2]  }
0x2a: {  	p0 =	seq.s32 s5, $0x0;
	s5 =	sld [smem:$0x3FB3]  }
0x2b: {  	s6 =	sld [smem:$0x3FB4]  }
0x2c: {  	s7 =	sld [smem:$0x3FB5]  }
0x2d: {  	s3 =	simm.s32 $0x108;
	s8 =	sld [smem:$0x3FB6]  }
0x2e: {  	s3 =	simm.s32 @!p0 $0x1082;
	s9 =	sld [smem:$0x3FB7]  }
0x2f: {  	lr =	sadd.s32 s0, s3;
	s0 =	sld [smem:$0x3FAE]  }
0x30: {  	s3 =	sld [smem:$0x3FB1]  }
0x31: {  	[smem:$0x3FBA] =	sst s10  }
0x32: {  	s10 =	sld [smem:$0x3FB8];
	_ =	sdelay $0x3  }
0x33: {  	p0 =	seq.s32 s10, $0x1;
	s10 =	sld [smem:$0x3FBA];
	_ =	sdelay $0x3  }
0x34: {  	[smem:$0x3FBA] =	sst s10  }
0x35: {  	s10 =	sld [smem:$0x3FB9];
	_ =	sdelay $0x3  }
0x36: {  	p1 =	seq.s32 s10, $0x1;
	s10 =	sld [smem:$0x3FBA];
	_ =	sdelay $0x3  }
0x37: {  	[smem:$0x3FBA] =	sst s10  }
0x38: {  	s10 =	sld [smem:$0x3FBB]  }
0x39: {  	_ = 	snop;
	(pc) =	sbr.ind lr, $3  }
0x3a: {  	_ = 	snop  }
0x3b: {  	_ = 	snop  }
0x3c: {  	p2 =	seq.s32 s10, $0x1;
	s10 =	sld [smem:$0x3FBA]  }
0x3d: {  	_ =	shalt  }
0x3e: {  	_ =	shalt  }
0x3f: {  	_ =	shalt  }
0x40: {  	_ =	shalt  }
0x41: {  	_ =	shalt  }
0x42: {  	_ =	shalt  }
0x43: {  	_ =	shalt  }
0x44: {  	_ =	shalt  }
0x45: {  	_ =	shalt  }
0x46: {  	_ =	shalt  }
0x47: {  	_ =	shalt  }
0x48: {  	_ =	shalt  }
0x49: {  	_ =	shalt  }
0x4a: {  	_ =	shalt  }
0x4b: {  	_ =	shalt  }
0x4c: {  	_ =	shalt  }
0x4d: {  	_ =	shalt  }
0x4e: {  	_ =	shalt  }
0x4f: {  	_ =	shalt  }
0x50: {  	_ =	shalt  }
0x51: {  	_ =	shalt  }
0x52: {  	_ =	shalt  }
0x53: {  	_ =	shalt  }
0x54: {  	_ =	shalt  }
0x55: {  	_ =	shalt  }
0x56: {  	_ =	shalt  }
0x57: {  	_ =	shalt  }
0x58: {  	_ =	shalt  }
0x59: {  	_ =	shalt  }
0x5a: {  	_ =	shalt  }
0x5b: {  	_ =	shalt  }
0x5c: {  	_ =	shalt  }
0x5d: {  	_ =	shalt  }
0x5e: {  	_ =	shalt  }
0x5f: {  	_ =	shalt  }
0x60: {  	_ =	shalt  }
0x61: {  	_ =	shalt  }
0x62: {  	_ =	shalt  }
0x63: {  	_ =	shalt  }
0x64: {  	_ =	shalt  }
0x65: {  	_ =	shalt  }
0x66: {  	_ =	shalt  }
0x67: {  	_ =	shalt  }
0x68: {  	_ =	shalt  }
0x69: {  	_ =	shalt  }
0x6a: {  	_ =	shalt  }
0x6b: {  	_ =	shalt  }
0x6c: {  	_ =	shalt  }
0x6d: {  	_ =	shalt  }
0x6e: {  	_ =	shalt  }
0x6f: {  	_ =	shalt  }
0x70: {  	_ =	shalt  }
0x71: {  	_ =	shalt  }
0x72: {  	_ =	shalt  }
0x73: {  	_ =	shalt  }
0x74: {  	_ =	shalt  }
0x75: {  	_ =	shalt  }
0x76: {  	_ =	shalt  }
0x77: {  	_ =	shalt  }
0x78: {  	_ =	shalt  }
0x79: {  	_ =	shalt  }
0x7a: {  	_ =	shalt  }
0x7b: {  	_ =	shalt  }
0x7c: {  	_ =	shalt  }
0x7d: {  	_ =	shalt  }
0x7e: {  	_ =	shalt  }
0x7f: {  	_ =	shalt  }
0x80: {  	_ =	shalt  }
0x81: {  	_ =	shalt  }
0x82: {  	_ =	shalt  }
0x83: {  	_ =	shalt  }
0x84: {  	_ =	shalt  }
0x85: {  	_ =	shalt  }
0x86: {  	_ =	shalt  }
0x87: {  	_ =	shalt  }
.Lfunc_end0:
.L_simem_size_0:
called_computation.1_lowered:
.L_overlay_start_0:
0x88: {  	s2 =	sld [smem:$0x3FD9]  }
0x89: {  	s3 =	sld [smem:$0x3FFE];
	_ =	sdelay $0x1  }
0x8a: {  	s1 =	srdreg.scid  }
0x8b: {  	s0 =	sand.u32 $0x1, s1  }
0x8c: {  	s17 =	sshll.u32 s0, $0xA;
	s2 =	sadd.s32 s3, s2  }
0x8d: {  	s2 =	sadd.s32 s2, s17  }
0x8e: {  	[smem:$0x3FC6] =	sst s2  }
0x8f: {  	_ = 	snop  }
0x90: {  	s2 =	sld [smem:$0x3FD0];
	(tm) =	ssettm $0x1  }
0x91: {  	s18 =	sld [smem:$0x3FFB];
	_ =	sdelay $0x3  }
0x92: {  	_ =	strace s18  }
0x93: {  	s3 =	sld [smem:$0x3FFC];
	_ =	sdelay $0x3  }
0x94: {  	_ =	strace s3  }
0x95: {  	s3 =	sld [smem:$0x3FFD];
	_ =	sdelay $0x3  }
0x96: {  	_ =	strace s3  }
0x97: {  	_ =	strace $0x8FFFFFFF  }
0x98: {  	s19 =	sld [smem:$0x3FDB];
	_ =	sdelay $0x1  }
0x99: {  	s4 =	simm.s32 $_scs_section_size  }
0x9a: {  	s5 =	simm.s32 $_size__tile_overlayer_lowered;
	s6 =	simm.s32 $_tile_overlayer_lowered  }
0x9b: {  	s22 =	simm.s32 $0x1BFF;
	s21 =	sshll.u32 s6, $0x1;
	s3 =	sadd.s32 s4, s19  }
0x9c: {  	s7 =	simm.s32 $0x0;
	s20 =	sshll.u32 s5, $0x1;
	s5 =	sadd.s32 s21, s3  }
0x9d: {  	[timem:s7], [sflag:s22] =	dma.local [hbm:s5], s20  }
0x9e: {  	_ =	swait.ge [sflag:s22], s20  }
0x9f: {  	s4 =	ssub.s32 $0x0, s20;
	[sflag:s22] =	ssyncset.done $0x0  }
0xa0: {  	[sflag:s22] =	ssyncadd.s32 s4;
	_ =	sdelay $0x1  }
0xa1: {  	s23 =	simm.s32 $0x1B8B  }
0xa2: {  	_ =	swait.ge [sflag:s23], $0x1  }
0xa3: {  	[sflag:s23] =	ssyncset.done $0x0  }
0xa4: {  	s25 =	simm.s32 $0x1B8E;
	s24 =	sld [smem:$0x3FFE];
	[sflag:s23] =	ssyncadd.s32 $0xFFFFFFFF  }
0xa5: {  	s26 =	simm.s32 $execute0_lowered;
	[smem:$0x3FD2] =	sst s25  }
0xa6: {  	s5 =	sshll.u32 s26, $0x1;
	_ =	strace $0x80000046;
	[dreg:$0x1] =	wrdreg $0xFFFFFFFF  }
0xa7: {  	s28 =	simm.s32 $_size_execute0_lowered;
	s3 =	sadd.s32 s3, s5;
	[dreg:$0x0] =	wrdreg $0x0  }
0xa8: {  	s5 =	sshll.u32 s28, $0x1;
	[dreg:$0x2] =	wrdreg s3  }
0xa9: {  	[dreg:$0x3] =	wrdreg s5  }
0xaa: {  	[dreg:$0x4] =	wrdreg $0xC0  }
0xab: {  	_ =	task [dreg:s7], $0x5FFFF  }
0xac: {  	[dreg:$0x1] =	wrdreg $0xFFFFFFFF  }
0xad: {  	[dreg:$0x0] =	wrdreg $0x60  }
0xae: {  	[dreg:$0x2] =	wrdreg s24  }
0xaf: {  	[dreg:$0x3] =	wrdreg s2  }
0xb0: {  	[dreg:$0x4] =	wrdreg $0x9  }
0xb1: {  	_ =	task.clear_ibuf [dreg:s7], $0x5FFFF;
	_ =	strace $0x90000046  }
0xb2: {  	s29 =	simm.s32 $0x9;
	_ =	strace $0x80000048  }
0xb3: {  	_ =	swait.ge [sflag:s29], $0x1  }
0xb4: {  	[sflag:s29] =	ssyncadd.s32 $0xFFFFFFFF  }
0xb5: {  	_ =	strace $0x90000048  }
0xb6: {  	_ =	sfence  }
0xb7: {  	s30 =	sld [smem:$0x0];
	_ =	sdelay $0x2  }
0xb8: {  	s31 =	sshll.u32 s1, $0xD;
	s1 =	sshrl.u32 s1, $0x2  }
0xb9: {  	s3 =	sand.u32 $0x4000, s31;
	s1 =	sadd.s32 s1, s30  }
0xba: {  	s0 =	sor.u32 s3, s0;
	s1 =	sshll.u32 s1, $0x11  }
0xbb: {  	s0 =	sor.u32 s1, s0  }
0xbc: {  	s0 =	sadd.s32 $0x8F2B, s0  }
0xbd: {  	[sflag:s0] =	ssyncadd.remote.s32 $0x1  }
0xbe: {  	_ =	sfence.sel $0xFFFF  }
0xbf: {  	[dreg:$0x0] =	wrdreg $0xFFFFFFFF;
	(pc) =	sbr.abs _section_cstart, $3  }
0xc0: {  	[dreg:$0x1] =	wrdreg $0xFFFFFFFF  }
0xc1: {  	_ =	task.clear_ibuf [dreg:s7], $0x2FFFF;
	_ =	strace $0x9FFFFFFF  }
0xc2: {  	(tm) =	ssettm $0x7FFFFFFF  }
0xc3: {  	_ =	shalt  }
tec
execute0_lowered:
.L_overlay_start_1:
0x0: {  	(tag) =	ssettag $0x1  }
0x1: {  	s0 =	rddreg [dreg:$0x0]  }
0x2: {  	s1 =	rddreg [dreg:$0x1]  }
0x3: {  	s2 =	simm.s32 $0x0;
	s25 =	srdreg.scid;
	s11 =	stileid.u32  }
0x4: {  	s29 =	simm.s32 $0xCC00;
	s31 =	simm.s32 $0xE500;
	s28 =	simm.s32 $0x40  }
0x5: {  	s30 =	simm.s32 $0x80;
	[smem:$0x7FF] =	sst s2;
	s4 =	smul.u32 $0x700000, s11  }
0x6: {  	s2 =	sand.u32 $0x1, s25;
	s3 =	sshll.u32 s11, $0x1;
	s20 =	smul.u32 $0xE0000, s11  }
0x7: {  	_ =	strace $0x80000047;
	s5 =	sor.u32 s2, s3;
	s6 =	smul.u32 $0x380000, s2  }
0x8: {  	s3 =	sadd.s32 $0xF42E00, s0;
	s7 =	ssub.s32 $0x2, s2;
	s5 =	smul.u32 $0xD00, s5  }
0x9: {  	s0 =	sadd.s32 $0xA00, s0;
	s21 =	smul.u32 $0x70000, s2;
	s8 =	sshrl.u32 s7, $0x1  }
0xa: {  	s4 =	sadd.s32 s6, s4;
	s26 =	ssub.s32 s7, s8;
	s1 =	sadd.s32 s1, s5  }
0xb: {  	s7 =	sor.u32 $0x1A400, s4;
	s8 =	smax.u32 s26, $0x1;
	s9 =	sor.u32 $0x18800, s4  }
0xc: {  	s12 =	sor.u32 $0x16C00, s4;
	s14 =	sor.u32 $0x15000, s4;
	s16 =	sor.u32 $0x13400, s4  }
0xd: {  	s18 =	sor.u32 $0x11800, s4;
	s22 =	sor.u32 $0xC400, s4;
	s5 =	sadd.s32 s20, s0  }
0xe: {  	s24 =	sor.u32 $0x8C00, s4;
	s25 =	sor.u32 $0x7000, s4;
	[dreg:$0x3] =	wrdreg s1  }
0xf: {  	[dreg:$0x4] =	wrdreg s8;
	s1 =	sshrl.u32 s7, $0x3;
	s10 =	sshrl.u32 s9, $0x3  }
0x10: {  	s13 =	sshrl.u32 s12, $0x3;
	s15 =	sshrl.u32 s14, $0x3;
	s17 =	sshrl.u32 s16, $0x3  }
0x11: {  	s19 =	sshrl.u32 s18, $0x3;
	s2 =	sshrl.u32 s22, $0x3;
	s14 =	sor.u32 $0xA800, s4  }
0x12: {  	s12 =	sadd.s32 s21, s5;
	s4 =	sor.u32 $0x5400, s4;
	s5 =	simm.s32 $0x3  }
0x13: {  	s18 =	simm.s32 $0x2;
	s6 =	sadd.s32 s1, s0;
	s7 =	sadd.s32 s10, s0  }
0x14: {  	s8 =	sadd.s32 s13, s0;
	s9 =	sadd.s32 s15, s0;
	s10 =	sadd.s32 s17, s0  }
0x15: {  	s11 =	sadd.s32 s19, s0;
	s13 =	sadd.s32 s2, s0;
	s23 =	sshrl.u32 s14, $0x3  }
.Ltmp0:
0x16: {  	s1 =	sshrl.u32 s24, $0x3;
	s2 =	sshrl.u32 s25, $0x3;
	(pc) =	sbr.rel .LBB2_1-.Ltmp0, $4  }
0x17: {  	s26 =	sshrl.u32 s4, $0x3;
	s19 =	simm.s32 $0x64;
	s25 =	simm.s32 $0x1  }
0x18: {  	s4 =	simm.s32 $0x0;
	s14 =	sadd.s32 s23, s0;
	s15 =	sadd.s32 s1, s0  }
0x19: {  	s16 =	sadd.s32 s2, s0;
	s17 =	sadd.s32 s26, s0;
	s1 =	simm.s32 $0xFE00  }
0x1a: {  	s23 =	simm.s32 $0x11700;
	s26 =	simm.s32 $0x12380;
	s0 =	simm.s32 $0x4  }
.LBB2_4:
0x1b: {  	s4 =	rddreg [dreg:$0x5]  }
0x1c: {  	s2 =	rddreg [dreg:$0x4];
	s4 =	sadd.s32 $0x1, s4  }
0x1d: {  	p0 =	sne.s32 s4, s2  }
.Ltmp1:
0x1e: {  	_ = 	snop;
	(pc) =	sbr.rel @!p0 .LBB2_5-.Ltmp1, $1  }
0x1f: {  	_ =	sdelay $0x3  }
.LBB2_1:
0x20: {  	[dreg:$0x5] =	wrdreg s4  }
0x21: {  	s2 =	simm.s32 $0x0;
	s24 =	rddreg [dreg:$0x3];
	s20 =	simm.s32 $0x5  }
0x22: {  	[tilespmem:s2], [sflag:$0x5] =	stream.linear.gather [hbm4b:s24+s2], $0x6800, $0x38;
	[tilespmem:$0x13000] =	vst v63  }
0x23: {  	_ =	swait.ge [sflag:s20], $0x6800  }
0x24: {  	[sflag:s20] =	ssyncset.done $0x0  }
0x25: {  	s21 =	simm.s32 $0x6800;
	[sflag:s20] =	ssyncadd.s32 $0xFFFF9800  }
0x26: {  	[tilespmem:s21], [sflag:$0x1] =	stream.indirect.gather [hbm4b:s3+s19], $0x40, s2, s19, $0xb8;
	[tilespmem:$0x13000] =	vst v63  }
0x27: {  	s22 =	simm.s32 $0x68;
	s24 =	simm.s32 $0x8100  }
0x28: {  	[tilespmem:s24], [sflag:$0x1] =	stream.indirect.gather [hbm4b:s3+s19], $0x40, s22, s19, $0xb8;
	[tilespmem:$0x13000] =	vst v63  }
0x29: {  	s20 =	simm.s32 $0xD0;
	s21 =	simm.s32 $0x9A00  }
0x2a: {  	[tilespmem:s21], [sflag:$0x1] =	stream.indirect.gather [hbm4b:s3+s19], $0x40, s20, s19, $0xb8;
	[tilespmem:$0x13000] =	vst v63  }
0x2b: {  	s22 =	simm.s32 $0x138;
	s24 =	simm.s32 $0xB300  }
0x2c: {  	[tilespmem:s24], [sflag:$0x1] =	stream.indirect.gather [hbm4b:s3+s19], $0x40, s22, s19, $0xb8;
	[tilespmem:$0x13000] =	vst v63  }
0x2d: {  	s20 =	simm.s32 $0x1A0  }
0x2e: {  	[tilespmem:s29], [sflag:$0x2] =	stream.indirect.gather [hbm4b:s3+s19], $0x40, s20, s19, $0xb8;
	[tilespmem:$0x13000] =	vst v63  }
0x2f: {  	s21 =	simm.s32 $0x208  }
0x30: {  	[tilespmem:s31], [sflag:$0x2] =	stream.indirect.gather [hbm4b:s3+s19], $0x40, s21, s19, $0xb8;
	[tilespmem:$0x13000] =	vst v63  }
0x31: {  	s22 =	simm.s32 $0x270  }
0x32: {  	[tilespmem:s1], [sflag:$0x2] =	stream.indirect.gather [hbm4b:s3+s19], $0x40, s22, s19, $0xb8;
	[tilespmem:$0x13000] =	vst v63  }
0x33: {  	s2 =	simm.s32 $0x0;
	s24 =	simm.s32 $0x2D8;
	s21 =	simm.s32 $0x618  }
0x34: {  	[tilespmem:s23], [sflag:$0x2] =	stream.indirect.gather [hbm4b:s3+s19], $0x40, s24, s19, $0xb8;
	[tilespmem:$0x13000] =	vst v63  }
.LBB2_2:
0x35: {  	_ =	swait.ge [sflag:s25], $0x6400  }
0x36: {  	[sflag:s25] =	ssyncset.done $0x0  }
0x37: {  	s4 =	sadd.s32 s2, s12;
	s20 =	simm.s32 $0x6800;
	[sflag:s25] =	ssyncadd.s32 $0xFFFF9C00  }
0x38: {  	[hbm4b:s4+s28] =	stream.strided.scatter [tilespmem:s20], [sflag:$0x3], $0xC80, s30, s28, $0x38;
	[tilespmem:$0x13000] =	vst v63  }
0x39: {  	s22 =	simm.s32 $0x7480;
	s24 =	sadd.s32 $0x380, s4  }
0x3a: {  	[hbm4b:s24+s28] =	stream.strided.scatter [tilespmem:s22], [sflag:$0x3], $0xC80, s30, s28, $0x38;
	[tilespmem:$0x13000] =	vst v63  }
0x3b: {  	s22 =	sadd.s32 $0x700, s4;
	s24 =	simm.s32 $0x8100  }
0x3c: {  	[hbm4b:s22+s28] =	stream.strided.scatter [tilespmem:s24], [sflag:$0x3], $0xC80, s30, s28, $0x38;
	[tilespmem:$0x13000] =	vst v63  }
0x3d: {  	s22 =	sadd.s32 s2, s17;
	s24 =	simm.s32 $0x8D80  }
0x3e: {  	[hbm4b:s22+s28] =	stream.strided.scatter [tilespmem:s24], [sflag:$0x3], $0xC80, s30, s28, $0x38;
	[tilespmem:$0x13000] =	vst v63  }
0x3f: {  	s22 =	sadd.s32 s2, s16;
	s24 =	simm.s32 $0x9A00  }
0x40: {  	[hbm4b:s22+s28] =	stream.strided.scatter [tilespmem:s24], [sflag:$0x3], $0xC80, s30, s28, $0x38;
	[tilespmem:$0x13000] =	vst v63  }
0x41: {  	s22 =	sadd.s32 s2, s15;
	s24 =	simm.s32 $0xA680  }
0x42: {  	[hbm4b:s22+s28] =	stream.strided.scatter [tilespmem:s24], [sflag:$0x3], $0xC80, s30, s28, $0x38;
	[tilespmem:$0x13000] =	vst v63  }
0x43: {  	s22 =	sadd.s32 s2, s14;
	s24 =	simm.s32 $0xB300  }
0x44: {  	[hbm4b:s22+s28] =	stream.strided.scatter [tilespmem:s24], [sflag:$0x3], $0xC80, s30, s28, $0x38;
	[tilespmem:$0x13000] =	vst v63  }
0x45: {  	s22 =	sadd.s32 s2, s13;
	s24 =	simm.s32 $0xBF80  }
0x46: {  	[hbm4b:s22+s28] =	stream.strided.scatter [tilespmem:s24], [sflag:$0x3], $0xC80, s30, s28, $0x38;
	[tilespmem:$0x13000] =	vst v63  }
0x47: {  	_ =	swait.ge [sflag:s5], $0xC80  }
0x48: {  	[sflag:s5] =	ssyncset.done $0x0  }
0x49: {  	[sflag:s5] =	ssyncadd.s32 $0xFFFFF380  }
0x4a: {  	_ =	swait.ge [sflag:s5], $0xC80  }
0x4b: {  	[sflag:s5] =	ssyncset.done $0x0  }
0x4c: {  	[sflag:s5] =	ssyncadd.s32 $0xFFFFF380  }
0x4d: {  	_ =	swait.ge [sflag:s5], $0xC80  }
0x4e: {  	[sflag:s5] =	ssyncset.done $0x0  }
0x4f: {  	[sflag:s5] =	ssyncadd.s32 $0xFFFFF380  }
0x50: {  	_ =	swait.ge [sflag:s5], $0xC80  }
0x51: {  	[sflag:s5] =	ssyncset.done $0x0  }
0x52: {  	[sflag:s5] =	ssyncadd.s32 $0xFFFFF380  }
0x53: {  	_ =	swait.ge [sflag:s5], $0xC80  }
0x54: {  	[sflag:s5] =	ssyncset.done $0x0  }
0x55: {  	[sflag:s5] =	ssyncadd.s32 $0xFFFFF380  }
0x56: {  	_ =	swait.ge [sflag:s5], $0xC80  }
0x57: {  	[sflag:s5] =	ssyncset.done $0x0  }
0x58: {  	[sflag:s5] =	ssyncadd.s32 $0xFFFFF380  }
0x59: {  	_ =	swait.ge [sflag:s5], $0xC80  }
0x5a: {  	[sflag:s5] =	ssyncset.done $0x0  }
0x5b: {  	[sflag:s5] =	ssyncadd.s32 $0xFFFFF380  }
0x5c: {  	p0 =	seq.s32 s2, $0x6C800;
	_ =	swait.ge [sflag:s5], $0xC80  }
0x5d: {  	s20 =	sadd.s32 @!p0 $0xFFFFFD28, s21;
	[sflag:s5] =	ssyncset.done $0x0  }
0x5e: {  	s22 =	simm.s32 @!p0 $0x64;
	s24 =	simm.s32 @!p0 $0x6800;
	[sflag:s5] =	ssyncadd.s32 $0xFFFFF380  }
0x5f: {  	[tilespmem:s24], [sflag:$0x1] =	stream.indirect.gather @!p0 [hbm4b:s3+s22], $0x40, s20, s22, $0xb8;
	[tilespmem:$0x13000] =	vst v63  }
0x60: {  	s20 =	sadd.s32 @!p0 $0xFFFFFD90, s21;
	s24 =	simm.s32 @!p0 $0x8100  }
0x61: {  	[tilespmem:s24], [sflag:$0x1] =	stream.indirect.gather @!p0 [hbm4b:s3+s22], $0x40, s20, s22, $0xb8;
	[tilespmem:$0x13000] =	vst v63  }
0x62: {  	s20 =	sadd.s32 @!p0 $0xFFFFFDF8, s21;
	s24 =	simm.s32 @!p0 $0x9A00  }
0x63: {  	[tilespmem:s24], [sflag:$0x1] =	stream.indirect.gather @!p0 [hbm4b:s3+s22], $0x40, s20, s22, $0xb8;
	[tilespmem:$0x13000] =	vst v63  }
0x64: {  	s20 =	sadd.s32 @!p0 $0xFFFFFE60, s21;
	s24 =	simm.s32 @!p0 $0xB300  }
0x65: {  	[tilespmem:s24], [sflag:$0x1] =	stream.indirect.gather @!p0 [hbm4b:s3+s22], $0x40, s20, s22, $0xb8;
	[tilespmem:$0x13000] =	vst v63  }
0x66: {  	_ =	swait.ge [sflag:s18], $0x6400  }
0x67: {  	[sflag:s18] =	ssyncset.done $0x0  }
0x68: {  	s22 =	sadd.s32 $0x1C00, s4;
	[sflag:s18] =	ssyncadd.s32 $0xFFFF9C00  }
0x69: {  	[hbm4b:s22+s28] =	stream.strided.scatter [tilespmem:s29], [sflag:$0x4], $0xC80, s30, s28, $0x38;
	[tilespmem:$0x13000] =	vst v63  }
0x6a: {  	s4 =	sadd.s32 $0x1F80, s4;
	s24 =	simm.s32 $0xD880  }
0x6b: {  	[hbm4b:s4+s28] =	stream.strided.scatter [tilespmem:s24], [sflag:$0x4], $0xC80, s30, s28, $0x38;
	[tilespmem:$0x13000] =	vst v63  }
0x6c: {  	s20 =	sadd.s32 s2, s11  }
0x6d: {  	[hbm4b:s20+s28] =	stream.strided.scatter [tilespmem:s31], [sflag:$0x4], $0xC80, s30, s28, $0x38;
	[tilespmem:$0x13000] =	vst v63  }
0x6e: {  	s22 =	sadd.s32 s2, s10;
	s24 =	simm.s32 $0xF180  }
0x6f: {  	[hbm4b:s22+s28] =	stream.strided.scatter [tilespmem:s24], [sflag:$0x4], $0xC80, s30, s28, $0x38;
	[tilespmem:$0x13000] =	vst v63  }
0x70: {  	s20 =	sadd.s32 s2, s9  }
0x71: {  	[hbm4b:s20+s28] =	stream.strided.scatter [tilespmem:s1], [sflag:$0x4], $0xC80, s30, s28, $0x38;
	[tilespmem:$0x13000] =	vst v63  }
0x72: {  	s22 =	sadd.s32 s2, s8;
	s24 =	simm.s32 $0x10A80  }
0x73: {  	[hbm4b:s22+s28] =	stream.strided.scatter [tilespmem:s24], [sflag:$0x4], $0xC80, s30, s28, $0x38;
	[tilespmem:$0x13000] =	vst v63  }
0x74: {  	s22 =	sadd.s32 s2, s7  }
0x75: {  	[hbm4b:s22+s28] =	stream.strided.scatter [tilespmem:s23], [sflag:$0x4], $0xC80, s30, s28, $0x38;
	[tilespmem:$0x13000] =	vst v63  }
0x76: {  	s24 =	sadd.s32 s2, s6  }
0x77: {  	[hbm4b:s24+s28] =	stream.strided.scatter [tilespmem:s26], [sflag:$0x4], $0xC80, s30, s28, $0x38;
	[tilespmem:$0x13000] =	vst v63  }
0x78: {  	_ =	swait.ge [sflag:s0], $0xC80  }
0x79: {  	[sflag:s0] =	ssyncset.done $0x0  }
0x7a: {  	[sflag:s0] =	ssyncadd.s32 $0xFFFFF380  }
0x7b: {  	_ =	swait.ge [sflag:s0], $0xC80  }
0x7c: {  	[sflag:s0] =	ssyncset.done $0x0  }
0x7d: {  	[sflag:s0] =	ssyncadd.s32 $0xFFFFF380  }
0x7e: {  	_ =	swait.ge [sflag:s0], $0xC80  }
0x7f: {  	[sflag:s0] =	ssyncset.done $0x0  }
0x80: {  	[sflag:s0] =	ssyncadd.s32 $0xFFFFF380  }
0x81: {  	_ =	swait.ge [sflag:s0], $0xC80  }
0x82: {  	[sflag:s0] =	ssyncset.done $0x0  }
0x83: {  	[sflag:s0] =	ssyncadd.s32 $0xFFFFF380  }
0x84: {  	_ =	swait.ge [sflag:s0], $0xC80  }
0x85: {  	[sflag:s0] =	ssyncset.done $0x0  }
0x86: {  	[sflag:s0] =	ssyncadd.s32 $0xFFFFF380  }
0x87: {  	_ =	swait.ge [sflag:s0], $0xC80  }
0x88: {  	[sflag:s0] =	ssyncset.done $0x0  }
0x89: {  	[sflag:s0] =	ssyncadd.s32 $0xFFFFF380  }
0x8a: {  	_ =	swait.ge [sflag:s0], $0xC80  }
.Ltmp2:
0x8b: {  	[sflag:s0] =	ssyncset.done $0x0;
	(pc) =	sbr.rel @p0 .LBB2_4-.Ltmp2, $4  }
0x8c: {  	[sflag:s0] =	ssyncadd.s32 $0xFFFFF380  }
0x8d: {  	_ =	swait.ge [sflag:s0], $0xC80  }
0x8e: {  	[sflag:s0] =	ssyncset.done $0x0  }
0x8f: {  	[sflag:s0] =	ssyncadd.s32 $0xFFFFF380  }
0x90: {  	s4 =	sadd.s32 $0xFFFFFEC8, s21  }
0x91: {  	[tilespmem:s29], [sflag:$0x2] =	stream.indirect.gather [hbm4b:s3+s19], $0x40, s4, s19, $0xb8;
	[tilespmem:$0x13000] =	vst v63  }
0x92: {  	s22 =	sadd.s32 $0xFFFFFF30, s21  }
0x93: {  	[tilespmem:s31], [sflag:$0x2] =	stream.indirect.gather [hbm4b:s3+s19], $0x40, s22, s19, $0xb8;
	[tilespmem:$0x13000] =	vst v63  }
.Ltmp3:
0x94: {  	s24 =	sadd.s32 $0xFFFFFF98, s21;
	(pc) =	sbr.rel .LBB2_2-.Ltmp3, $4  }
0x95: {  	[tilespmem:s1], [sflag:$0x2] =	stream.indirect.gather [hbm4b:s3+s19], $0x40, s24, s19, $0xb8;
	[tilespmem:$0x13000] =	vst v63  }
0x96: {  	_ = 	snop  }
0x97: {  	[tilespmem:s23], [sflag:$0x2] =	stream.indirect.gather [hbm4b:s3+s19], $0x40, s21, s19, $0xb8;
	[tilespmem:$0x13000] =	vst v63  }
0x98: {  	s2 =	sadd.s32 $0x3800, s2;
	s21 =	sadd.s32 $0x340, s21  }
.LBB2_5:
0x99: {  	_ =	sfence.sel $0x180000  }
0x9a: {  	[bflag:$0x0] =	sbarrier.arrive $0xFFFF  }
0x9b: {  	_ =	strace $0x90000047  }
0x9c: {  	s0 =	stileid.u32;
	[bflag:$0x2] =	sbarrier.arrive $0xFFFF  }
0x9d: {  	p0 =	sne.s32 s0, $0x0;
	s0 =	rddreg [dreg:$0x2]  }
0x9e: {  	s0 =	sadd.s32 @!p0 $0x100000, s0  }
0x9f: {  	[sflag:s0] =	ssyncadd.tile.s32 @!p0 $0x1;
	_ =	shalt  }
.Lfunc_end2:
_tile_overlayer_lowered:
.L_overlay_start_2:
0xa0: {  	(tag) =	ssettag $0x2  }
0xa1: {  	s0 =	rddreg [dreg:$0x0];
	s2 =	stileid.u32  }
0xa2: {  	s1 =	rddreg [dreg:$0x1];
	p0 =	sne.s32 s2, $0x0  }
0xa3: {  	s3 =	rddreg [dreg:$0x2];
	[bflag:$0x3] =	sbarrier.arrive $0xFFFF;
	s2 =	simm.s32 @!p0 $0x1C05  }
0xa4: {  	[timem:s3], [sflag:s2] =	dma.local @!p0 [hbm:s0], s1  }
0xa5: {  	s0 =	simm.s32 @!p0 $0x5  }
0xa6: {  	_ =	swait.ge @!p0 [sflag:s0], s1  }
0xa7: {  	s1 =	ssub.s32 @!p0 $0x0, s1;
	[sflag:s0] =	ssyncset.done @!p0 $0x0  }
0xa8: {  	[sflag:s0] =	ssyncadd.s32 @!p0 s1  }
0xa9: {  	[bflag:$0x3] =	sbarrier.arrive $0xFFFF  }
0xaa: {  	_ =	shalt  }

// kernel: sparse-core-data-format-call.cloned.1.call-start
scs
called_computation_lowered:
.L_overlay_start_0:
0x0: {  	s2 =	sld [smem:$0x3FD9]  }
0x1: {  	s3 =	sld [smem:$0x3FFE];
	_ =	sdelay $0x1  }
0x2: {  	s1 =	srdreg.scid  }
0x3: {  	s0 =	sand.u32 $0x1, s1  }
0x4: {  	s18 =	sshll.u32 s0, $0xA;
	s2 =	sadd.s32 s3, s2  }
0x5: {  	s2 =	sadd.s32 s2, s18  }
0x6: {  	[smem:$0x3FC6] =	sst s2  }
0x7: {  	_ = 	snop  }
0x8: {  	s2 =	sld [smem:$0x3FD0];
	(tm) =	ssettm $0x1  }
0x9: {  	s19 =	sld [smem:$0x3FFB];
	_ =	sdelay $0x3  }
0xa: {  	_ =	strace s19  }
0xb: {  	s3 =	sld [smem:$0x3FFC];
	_ =	sdelay $0x3  }
0xc: {  	_ =	strace s3  }
0xd: {  	s3 =	sld [smem:$0x3FFD];
	_ =	sdelay $0x3  }
0xe: {  	_ =	strace s3  }
0xf: {  	_ =	strace $0x8FFFFFFF  }
0x10: {  	s20 =	sld [smem:$0x3FDB];
	_ =	sdelay $0x1  }
0x11: {  	s4 =	simm.s32 $_scs_section_size  }
0x12: {  	s5 =	simm.s32 $_size__tile_overlayer_lowered;
	s6 =	simm.s32 $_tile_overlayer_lowered  }
0x13: {  	s23 =	simm.s32 $0x1BFF;
	s22 =	sshll.u32 s6, $0x1;
	s3 =	sadd.s32 s4, s20  }
0x14: {  	s7 =	simm.s32 $0x0;
	s21 =	sshll.u32 s5, $0x1;
	s5 =	sadd.s32 s22, s3  }
0x15: {  	[timem:s7], [sflag:s23] =	dma.local [hbm:s5], s21  }
0x16: {  	_ =	swait.ge [sflag:s23], s21  }
0x17: {  	s4 =	ssub.s32 $0x0, s21;
	[sflag:s23] =	ssyncset.done $0x0  }
0x18: {  	[sflag:s23] =	ssyncadd.s32 s4;
	_ =	sdelay $0x1  }
0x19: {  	s24 =	simm.s32 $0x1B8B  }
0x1a: {  	_ =	swait.ge [sflag:s24], $0x1  }
0x1b: {  	[sflag:s24] =	ssyncset.done $0x0  }
0x1c: {  	s26 =	simm.s32 $0x1B8E;
	s25 =	sld [smem:$0x3FFE];
	[sflag:s24] =	ssyncadd.s32 $0xFFFFFFFF  }
0x1d: {  	s27 =	simm.s32 $execute0_lowered;
	[smem:$0x3FD2] =	sst s26  }
0x1e: {  	s5 =	sshll.u32 s27, $0x1;
	_ =	strace $0x80000049;
	[dreg:$0x1] =	wrdreg $0xFFFFFFFF  }
0x1f: {  	s28 =	simm.s32 $_size_execute0_lowered;
	s3 =	sadd.s32 s3, s5;
	[dreg:$0x0] =	wrdreg $0x0  }
0x20: {  	s5 =	sshll.u32 s28, $0x1;
	[dreg:$0x2] =	wrdreg s3  }
0x21: {  	[dreg:$0x3] =	wrdreg s5  }
0x22: {  	[dreg:$0x4] =	wrdreg $0xC0  }
0x23: {  	_ =	task [dreg:s7], $0x5FFFF  }
0x24: {  	[dreg:$0x1] =	wrdreg $0xFFFFFFFF  }
0x25: {  	[dreg:$0x0] =	wrdreg $0x60  }
0x26: {  	[dreg:$0x2] =	wrdreg s25  }
0x27: {  	[dreg:$0x3] =	wrdreg s2  }
0x28: {  	[dreg:$0x4] =	wrdreg $0x9  }
0x29: {  	_ =	task.clear_ibuf [dreg:s7], $0x5FFFF;
	_ =	strace $0x90000049  }
0x2a: {  	s29 =	simm.s32 $0x9;
	_ =	strace $0x8000004B  }
0x2b: {  	_ =	swait.ge [sflag:s29], $0x1  }
0x2c: {  	[sflag:s29] =	ssyncadd.s32 $0xFFFFFFFF  }
0x2d: {  	_ =	strace $0x9000004B  }
0x2e: {  	_ =	sfence  }
0x2f: {  	s30 =	sld [smem:$0x0];
	_ =	sdelay $0x2  }
0x30: {  	s31 =	sshll.u32 s1, $0xD;
	s1 =	sshrl.u32 s1, $0x2  }
0x31: {  	s3 =	sand.u32 $0x4000, s31;
	s1 =	sadd.s32 s1, s30  }
0x32: {  	s0 =	sor.u32 s3, s0;
	s1 =	sshll.u32 s1, $0x11  }
0x33: {  	s0 =	sor.u32 s1, s0  }
0x34: {  	s0 =	sadd.s32 $0x8F2B, s0  }
0x35: {  	[sflag:s0] =	ssyncadd.remote.s32 $0x1  }
0x36: {  	_ =	sfence.sel $0xFFFF  }
0x37: {  	[dreg:$0x0] =	wrdreg $0xFFFFFFFF;
	(pc) =	sbr.abs _section_cstart, $3  }
0x38: {  	[dreg:$0x1] =	wrdreg $0xFFFFFFFF  }
0x39: {  	_ =	task.clear_ibuf [dreg:s7], $0x2FFFF;
	_ =	strace $0x9FFFFFFF  }
0x3a: {  	(tm) =	ssettm $0x7FFFFFFF  }
0x3b: {  	_ =	shalt  }
tec
execute0_lowered:
.L_overlay_start_1:
0x0: {  	(tag) =	ssettag $0x1  }
0x1: {  	s0 =	srdreg.scid  }
0x2: {  	s1 =	sshll.u32 s0, $0x4  }
0x3: {  	s0 =	stileid.u32;
	s1 =	sand.u32 $0x10, s1  }
0x4: {  	s1 =	sor.u32 s0, s1  }
0x5: {  	s6 =	rddreg [dreg:$0x0];
	s4 =	simm.s32 $0x1;
	s2 =	sshll.u32 s1, $0x7  }
0x6: {  	s7 =	simm.s32 $0x2;
	s12 =	simm.s32 $0x0;
	s1 =	ssub.s32 $0x4000, s2  }
0x7: {  	s8 =	simm.s32 $0x20000;
	s13 =	simm.s32 $0x0;
	s3 =	sand.u32 $0xF80, s1  }
0x8: {  	s9 =	simm.s32 $0x0;
	s5 =	sshrl.u32 s1, $0xC;
	p0 =	sne.s32 s3, $0x0  }
.Ltmp0:
0x9: {  	s1 =	rddreg [dreg:$0x2];
	s4 =	simm.s32 @!p0 $0x0;
	(pc) =	sbr.rel .LBB1_1-.Ltmp0, $4  }
0xa: {  	s11 =	simm.s32 $0x0;
	s3 =	rddreg [dreg:$0x1];
	s5 =	sadd.s32 s4, s5  }
0xb: {  	_ =	strace $0x8000004A;
	s4 =	simm.s32 $0x1;
	s5 =	smul.u32 $0x32, s5  }
0xc: {  	s6 =	sadd.s32 $0xA00, s6;
	s10 =	smov.u32 s2;
	[sflag:s4] =	ssyncpa.u1 $0x0  }
0xd: {  	p0 =	por $0x0, $0x0;
	[sflag:s7] =	ssyncpa.u1 $0x0;
	s7 =	sor.u32 $0x1, s5  }
.LBB1_4:
0xe: {  	s16 =	sshll.u32 s13, $0x3;
	s17 =	sand.u32 $0x78, s13  }
0xf: {  	s30 =	sand.u32 $0x1F800, s13;
	s12 =	sshll.u32 s12, $0x11;
	s16 =	sand.u32 $0x3C00, s16  }
0x10: {  	[tilespmem:s15+$0x810 ss:$0x81] =	vst.msk $0xffff, v2;
	s31 =	sand.u32 $0x7, s13;
	s16 =	sor.u32 s17, s16;
	s17 =	sadd.s32 s3, s30  }
0x11: {  	[tilespmem:s15+$0x1020 ss:$0x81] =	vst.msk $0xffff, v0;
	s13 =	sshll.u32 s31, $0x12;
	s12 =	sadd.s32 s12, s17;
	s16 =	sshrl.u32 s16, $0x3  }
0x12: {  	[tilespmem:s15+$0x0 ss:$0x81] =	vst.msk $0xffff, v1;
	s13 =	sor.u32 $0x400, s13;
	s12 =	sadd.s32 s16, s12  }
0x13: {  	[hbm4b:s12+s13] =	stream.strided.scatter [tilespmem:s14], [sflag:$0x2], $0x2000, s8, s13, $0x20;
	[tilespmem:$0x8080] =	vst v63  }
.LBB1_5:
0x14: {  	s14 =	sadd.s32 $0x1, s9  }
0x15: {  	s12 =	sadd.s32 $0x1000, s10;
	s16 =	smov.u32 s10;
	p2 =	sgt.s32 s14, $0x31  }
0x16: {  	s16 =	smov.u32 @p2 s12  }
0x17: {  	s14 =	simm.s32 @p2 $0x0;
	p2 =	sgt.s32 s16, $0x3FFF  }
0x18: {  	s16 =	smov.u32 @p2 s2;
	p2 =	sne.s32 s11, s7  }
.Ltmp1:
0x19: {  	p1 =	slt.u32 s11, $0x2;
	(pc) =	sbr.rel @!p2 .LBB1_6-.Ltmp1, $4  }
0x1a: {  	s15 =	simm.s32 @!p1 $0x2  }
0x1b: {  	s13 =	smov.u32 s10;
	p0 =	por !p0, !p0;
	_ =	swait.ge @!p1 [sflag:s15], $0x2000  }
0x1c: {  	s12 =	smov.u32 s9;
	[sflag:s15] =	ssyncset.done @!p1 $0x0;
	s9 =	smov.u32 s14  }
0x1d: {  	s11 =	sadd.s32 $0x1, s11;
	[sflag:s15] =	ssyncadd.s32 @!p1 $0xFFFFE000;
	s10 =	smov.u32 s16  }
.LBB1_1:
0x1e: {  	p1 =	sge.u32 s11, s5  }
0x1f: {  	s14 =	sand.u32 @!p1 $0x1FFFFFF, s9  }
0x20: {  	s15 =	smulhi.u32 @!p1 $0x4924925, s14;
	_ =	sdelay $0x1  }
0x21: {  	s15 =	smul.u32 @!p1 $0x38, s15  }
0x22: {  	s16 =	sxor.u32 @!p1 $0xFFFFFFFF, s11;
	s17 =	smul.u32 @!p1 $0x380, s10  }
0x23: {  	s31 =	sadd.s32 $0xFFFFFFFF, s11;
	s16 =	sshll.u32 @!p1 s16, $0xD;
	s14 =	ssub.s32 @!p1 s14, s15  }
0x24: {  	s15 =	sand.u32 @!p1 $0x2000, s16;
	s16 =	sadd.s32 @!p1 s6, s17;
	s14 =	sshll.u32 @!p1 s14, $0x4  }
0x25: {  	s17 =	simm.s32 @!p1 $0x1C00;
	s14 =	sadd.s32 @!p1 s14, s16;
	s16 =	simm.s32 @!p1 $0x40  }
0x26: {  	[tilespmem:s15], [sflag:$0x1] =	stream.strided.gather @!p1 [hbm4b:s14+s16], $0x2000, s17, s16, $0x38;
	[tilespmem:$0x8080] =	vst v63  }
0x27: {  	p1 =	sge.u32 s31, s5  }
.Ltmp2:
0x28: {  	_ = 	snop;
	(pc) =	sbr.rel @p1 .LBB1_5-.Ltmp2, $1  }
0x29: {  	_ =	sdelay $0x3  }
0x2a: {  	s14 =	simm.s32 $0x1  }
0x2b: {  	_ =	swait.ge [sflag:s4], $0x2000;
	s14 =	simm.s32 @!p0 $0x0  }
0x2c: {  	[sflag:s4] =	ssyncset.done $0x0;
	s15 =	sshll.u32 s14, $0xD  }
0x2d: {  	[sflag:s4] =	ssyncadd.s32 $0xFFFFE000;
	s18 =	sor.u32 $0x20, s15  }
0x2e: {  	s14 =	smul.u32 $0x8100, s14;
	v3 =	vld [tilespmem:s18+$0x10]  }
0x2f: {  	s30 =	sand.u32 $0x1, s11;
	v2 =	vld [tilespmem:s18+$0xFFFFFFF0]  }
0x30: {  	s15 =	smul.u32 $0x8100, s30;
	s14 =	sshrl.u32 s14, $0x2;
	v0 =	vld [tilespmem:s18+$0x0]  }
0x31: {  	v1 =	vld [tilespmem:s18+$0xFFFFFFE0];
	s16 =	sor.u32 $0x4000, s14  }
0x32: {  	s31 =	sshrl.u32 s15, $0x2;
	s15 =	sadd.s32 $0x0, s16  }
0x33: {  	s17 =	simm.s32 $0x4;
	s18 =	sadd.s32 $0x40, s18;
	s14 =	sor.u32 $0x4000, s31;
	[tilespmem:s15+$0x1830 ss:$0x81] =	vst.msk $0xffff, v3  }
.LBB1_3:
0x34: {  	v3 =	vld [tilespmem:s18+$0x10];
	p1 =	sne.s32 s17, $0x1FC;
	[tilespmem:s15+$0x810 ss:$0x81] =	vst.msk $0xffff, v2;
	s19 =	smov.u32 s17;
	s17 =	sadd.s32 $0x4, s17  }
.Ltmp3:
0x35: {  	v2 =	vld [tilespmem:s18+$0xFFFFFFF0];
	[tilespmem:s15+$0x1020 ss:$0x81] =	vst.msk $0xffff, v0;
	(pc) =	sbr.rel @p1 .LBB1_3-.Ltmp3, $4  }
0x36: {  	v0 =	vld [tilespmem:s18+$0x0];
	[tilespmem:s15+$0x0 ss:$0x81] =	vst.msk $0xffff, v1  }
0x37: {  	s15 =	sshra.s32 s19, $0x2;
	v1 =	vld [tilespmem:s18+$0xFFFFFFE0]  }
0x38: {  	s15 =	sadd.s32 s15, s16  }
0x39: {  	s18 =	sadd.s32 $0x40, s18;
	[tilespmem:s15+$0x1830 ss:$0x81] =	vst.msk $0xffff, v3  }
.Ltmp4:
0x3a: {  	_ = 	snop;
	(pc) =	sbr.rel .LBB1_4-.Ltmp4, $1  }
0x3b: {  	_ =	sdelay $0x3  }
.LBB1_6:
0x3c: {  	_ =	sfence.sel $0x180000  }
0x3d: {  	s2 =	simm.s32 $0x1;
	[bflag:$0x0] =	sbarrier.arrive $0xFFFF  }
0x3e: {  	s31 =	simm.s32 $0x2;
	[sflag:s2] =	ssyncpa.u1 $0x1  }
0x3f: {  	[sflag:s31] =	ssyncpa.u1 $0x1  }
0x40: {  	p0 =	sne.s32 s0, $0x0;
	_ =	strace $0x9000004A  }
0x41: {  	s0 =	sadd.s32 @!p0 $0x100000, s1;
	[bflag:$0x2] =	sbarrier.arrive $0xFFFF  }
0x42: {  	[sflag:s0] =	ssyncadd.tile.s32 @!p0 $0x1;
	_ =	shalt  }
.Lfunc_end1:
_tile_overlayer_lowered:
.L_overlay_start_2:
0x43: {  	(tag) =	ssettag $0x2  }
0x44: {  	s0 =	rddreg [dreg:$0x0];
	s2 =	stileid.u32  }
0x45: {  	s1 =	rddreg [dreg:$0x1];
	p0 =	sne.s32 s2, $0x0  }
0x46: {  	s3 =	rddreg [dreg:$0x2];
	[bflag:$0x3] =	sbarrier.arrive $0xFFFF;
	s2 =	simm.s32 @!p0 $0x1C01  }
0x47: {  	[timem:s3], [sflag:s2] =	dma.local @!p0 [hbm:s0], s1  }
0x48: {  	s0 =	simm.s32 @!p0 $0x1  }
0x49: {  	_ =	swait.ge @!p0 [sflag:s0], s1  }
0x4a: {  	s1 =	ssub.s32 @!p0 $0x0, s1;
	[sflag:s0] =	ssyncset.done @!p0 $0x0  }
0x4b: {  	[sflag:s0] =	ssyncadd.s32 @!p0 s1  }
0x4c: {  	[bflag:$0x3] =	sbarrier.arrive $0xFFFF  }
0x4d: {  	_ =	shalt  }

</sc_bundles>
